<compile_context>
chip_gen: v7x
topology: tpu7x:2x2x1
jax: 0.10.2.dev20260603
libtpu: 0.0.44.dev20260713+nightly
codegen_flags: <defaults>
</compile_context>

<pallas_src>
import jax
import jax.numpy as jnp
from jax import lax
from jax.experimental import pallas as pl
from jax.experimental.pallas import tpu as pltpu, tpu_sc as plsc

NUM_ROWS = 1024
ROW_LEN = 8193
SEG_LEN = 515
PAD_LEN = 16 * SEG_LEN
UNROLL = 5
NUM_STEPS = SEG_LEN // UNROLL
NC, NS = 2, 16
NW = NC * NS
ROWS_PER_W = NUM_ROWS // NW
TC_BLOCK_ROWS = 64


def _tc_seg_body(h_ref, out_ref):
    xv = h_ref[...]
    xv = xv * xv
    ids = lax.broadcasted_iota(jnp.int32, (ROW_LEN, 16), 0) // SEG_LEN
    cols = lax.broadcasted_iota(jnp.int32, (ROW_LEN, 16), 1)
    onehot = (ids == cols).astype(jnp.float32)
    out_ref[...] = jax.lax.dot_general(
        xv, onehot, (((1,), (0,)), ((), ())),
        preferred_element_type=jnp.float32,
    )


def _sc_body(h_hbm, s_hbm, g_hbm, out_hbm,
             h0, s0, g0, h1, s1, g1, binsbuf, outbuf, sem0, sem1):
    wid = lax.axis_index("s") * NC + lax.axis_index("c")
    base_row = wid * ROWS_PER_W
    zeros16 = jnp.zeros((16,), jnp.float32)
    iota16 = lax.broadcasted_iota(jnp.int32, (16,), 0)
    vidx0 = iota16 * SEG_LEN

    for buf in (h0, s0, h1, s1):
        for off in range(ROW_LEN - 1, PAD_LEN - 15, 16):
            buf[pl.ds(off, 16)] = zeros16

    def start_row(row, hbuf, sbuf, gbuf, sem):
        pltpu.make_async_copy(h_hbm.at[row], hbuf.at[pl.ds(0, ROW_LEN)], sem).start()
        pltpu.make_async_copy(s_hbm.at[row], sbuf.at[pl.ds(0, ROW_LEN)], sem).start()
        pltpu.make_async_copy(g_hbm.at[row], gbuf, sem).start()

    def wait_row(row, hbuf, sbuf, gbuf, sem):
        pltpu.make_async_copy(h_hbm.at[row], hbuf.at[pl.ds(0, ROW_LEN)], sem).wait()
        pltpu.make_async_copy(s_hbm.at[row], sbuf.at[pl.ds(0, ROW_LEN)], sem).wait()
        pltpu.make_async_copy(g_hbm.at[row], gbuf, sem).wait()

    def process_row(i2, hbuf, sbuf, gbuf, acc0, acc1):
        seg_sums = gbuf[...]
        seg_incl = plsc.cumsum(seg_sums)
        seg_base = seg_incl - seg_sums
        a_vec = jnp.full((16,), jnp.sum(seg_sums))
        inv_vec = jnp.full((16,), 16.0) / a_vec

        binsbuf[pl.ds(0, 16)] = zeros16

        def pass_b(_, carry):
            p_run, ut, vidx = carry
            hv = [plsc.load_gather(hbuf, [vidx + u]) for u in range(UNROLL)]
            sv = [plsc.load_gather(sbuf, [vidx + u]) for u in range(UNROLL)]
            xv = [v * v for v in hv]
            s01 = xv[0] + xv[1]
            s23 = xv[2] + xv[3]
            pre = (None, xv[0], s01, s01 + xv[2], s01 + s23)
            inc = [hv[u] * sv[u] for u in range(UNROLL)]
            for u in range(UNROLL):
                p_u = p_run if u == 0 else p_run + pre[u]
                scaled = p_u * inv_vec
                k = scaled.astype(jnp.int32)
                m = scaled > 0.0
                plsc.addupdate_scatter(binsbuf, [k], inc[u], mask=m)
            i01 = inc[0] + inc[1]
            i23 = inc[2] + inc[3]
            ut = ut + ((i01 + i23) + inc[4])
            p_run = p_run + ((s01 + s23) + xv[4])
            return p_run, ut, vidx + UNROLL

        _, ut, _ = lax.fori_loop(0, NUM_STEPS, pass_b, (seg_base, zeros16, vidx0))

        u_tot = jnp.full((16,), jnp.sum(ut))
        sv_bins = binsbuf[pl.ds(0, 16)]
        dev = sv_bins - u_tot * (1.0 / 16.0)
        css = jnp.sum(dev * dev)
        chisq_b = jnp.full((16,), css) * inv_vec * ((16.0 / 15.0) / 32.0)
        acc0 = acc0 + jnp.where((iota16 == i2) & (i2 < 16), chisq_b, zeros16)
        acc1 = acc1 + jnp.where((iota16 == (i2 - 16)) & (i2 >= 16), chisq_b, zeros16)
        return acc0, acc1

    start_row(base_row, h0, s0, g0, sem0)

    def pair_body(i, carry):
        acc0, acc1 = carry
        ra = base_row + 2 * i
        rb = ra + 1
        start_row(rb, h1, s1, g1, sem1)
        wait_row(ra, h0, s0, g0, sem0)
        acc0, acc1 = process_row(2 * i, h0, s0, g0, acc0, acc1)

        @pl.when(i < (ROWS_PER_W // 2 - 1))
        def _():
            start_row(ra + 2, h0, s0, g0, sem0)

        wait_row(rb, h1, s1, g1, sem1)
        acc0, acc1 = process_row(2 * i + 1, h1, s1, g1, acc0, acc1)
        return acc0, acc1

    acc0, acc1 = lax.fori_loop(0, ROWS_PER_W // 2, pair_body, (zeros16, zeros16))
    outbuf[pl.ds(0, 16)] = acc0
    outbuf[pl.ds(16, 16)] = acc1
    pltpu.sync_copy(outbuf, out_hbm.at[pl.ds(base_row, ROWS_PER_W)])


@jax.jit
def kernel(template, strain):
    h = template.reshape(NUM_ROWS, ROW_LEN)
    s = strain.reshape(NUM_ROWS, ROW_LEN)
    segs = pl.pallas_call(
        _tc_seg_body,
        out_shape=jax.ShapeDtypeStruct((NUM_ROWS, 16), jnp.float32),
        grid=(NUM_ROWS // TC_BLOCK_ROWS,),
        in_specs=[pl.BlockSpec((TC_BLOCK_ROWS, ROW_LEN), lambda i: (i, 0))],
        out_specs=pl.BlockSpec((TC_BLOCK_ROWS, 16), lambda i: (i, 0)),
    )(h)
    mesh = plsc.VectorSubcoreMesh(
        core_axis_name="c", subcore_axis_name="s", num_cores=NC, num_subcores=NS
    )
    out = pl.kernel(
        _sc_body,
        out_type=jax.ShapeDtypeStruct((NUM_ROWS,), jnp.float32),
        mesh=mesh,
        scratch_types=[
            pltpu.VMEM((PAD_LEN,), jnp.float32),
            pltpu.VMEM((PAD_LEN,), jnp.float32),
            pltpu.VMEM((16,), jnp.float32),
            pltpu.VMEM((PAD_LEN,), jnp.float32),
            pltpu.VMEM((PAD_LEN,), jnp.float32),
            pltpu.VMEM((16,), jnp.float32),
            pltpu.VMEM((32,), jnp.float32),
            pltpu.VMEM((ROWS_PER_W,), jnp.float32),
            pltpu.SemaphoreType.DMA,
            pltpu.SemaphoreType.DMA,
        ],
        compiler_params=pltpu.CompilerParams(
            needs_layout_passes=False, use_tc_tiling_on_sc=False
        ),
    )(h, s, segs)
    return out.reshape(512, 2)

# --- scband reference (transcript-rebuilt; emitter-appended) ---
"""Pipeline reference for scband-chi-sq-773094113289 (READ-ONLY COPY).

The authoritative reference and input builder live on the scoring server;
editing this copy changes nothing except your own understanding.
"""

import jax, jax.numpy as jnp
import numpy as np

SAMPLE_RATE = 2048.0
FFTLENGTH = 8.0
NUM_BINS = 16


def setup_inputs(seed: int = 0) -> dict:
    key = jax.random.key(seed)
    k1, k2 = jax.random.split(key)
    template = jax.random.normal(k1, (512, 2, 8193), dtype=jnp.float32)
    strain = jax.random.normal(k2, (512, 2, 8193), dtype=jnp.float32)
    return {"template": template, "strain": strain}


def _snr_series(h, s, df):
    # SNR frequency-series integrand: 4 * df * Re[conj(h) * s]
    return 4.0 * df * (jnp.conj(h) * s).real


def reference(template, strain):
    df = 1.0 / FFTLENGTH
    htilde = template
    stilde = strain
    # partition_frequencies: cumulative optimal SNR of template
    cum_h = jnp.cumsum(_snr_series(htilde, htilde, df), axis=-1)
    total_h = cum_h[..., -1:]
    bins = (jnp.arange(NUM_BINS + 1, dtype=cum_h.dtype) / NUM_BINS) * total_h
    ss = lambda a, v: jnp.searchsorted(a, v, side='right')
    edges = jax.vmap(jax.vmap(ss))(cum_h, bins)
    edges = jnp.clip(edges, 0, cum_h.shape[-1] - 1)
    qtilde = htilde / jnp.sqrt(total_h)
    # get_snr_per_bin: cumulative matched-filter SNR of normalized template vs strain
    cum_q = jnp.cumsum(_snr_series(qtilde, stilde, df), axis=-1)
    right = jnp.take_along_axis(cum_q, edges[..., 1:], axis=-1)
    left = jnp.take_along_axis(cum_q, edges[..., :-1], axis=-1)
    total_snr = cum_q[..., -1:]
    snr_per_bin = right - left
    chisq_summand = (snr_per_bin - total_snr / NUM_BINS) ** 2
    chisq = jnp.sum(chisq_summand, axis=-1)
    chisq = chisq * NUM_BINS / (NUM_BINS - 1)
    return chisq

if __name__ == "__main__":
    import jax
    _d = setup_inputs()
    print(jax.jit(kernel)(*tuple(_d.values())))

</pallas_src>

<mosaic_0001>
#map = affine_map<(d0, d1) -> (0, 0)>
#map1 = affine_map<(d0, d1) -> (0)>
module attributes {stable_mosaic.version = 14 : i64} {
  func.func @_sc_body(%arg0: i32, %arg1: i32, %arg2: memref<1024x8193xf32, #tpu.memory_space<hbm>>, %arg3: memref<1024x8193xf32, #tpu.memory_space<hbm>>, %arg4: memref<1024x16xf32, #tpu.memory_space<hbm>>, %arg5: memref<1024xf32, #tpu.memory_space<hbm>>, %arg6: memref<8240xf32, #tpu.memory_space<vmem>>, %arg7: memref<8240xf32, #tpu.memory_space<vmem>>, %arg8: memref<16xf32, #tpu.memory_space<vmem>>, %arg9: memref<8240xf32, #tpu.memory_space<vmem>>, %arg10: memref<8240xf32, #tpu.memory_space<vmem>>, %arg11: memref<16xf32, #tpu.memory_space<vmem>>, %arg12: memref<32xf32, #tpu.memory_space<vmem>>, %arg13: memref<32xf32, #tpu.memory_space<vmem>>, %arg14: memref<!tpu.dma_semaphore, #tpu.memory_space<semaphore_mem>>, %arg15: memref<!tpu.dma_semaphore, #tpu.memory_space<semaphore_mem>>) attributes {dimension_semantics = [#tpu.dimension_semantics<core_parallel>, #tpu.dimension_semantics<subcore_parallel>], iteration_bounds = array<i64: 2, 16>, scalar_prefetch = 0 : i64, scratch_operands = 10 : i64, tpu.core_type = #tpu.core_type<sc_vector_subcore>, window_params = [{transform_indices = #map}, {transform_indices = #map}, {transform_indices = #map}, {transform_indices = #map1}]} {
    %mul3A = arith.constant 2 : i32
    %mul3A_0 = arith.muli %arg1, %mul3A : i32
    %add3A = arith.addi %mul3A_0, %arg0 : i32
    %mul3A_1 = arith.constant 32 : i32
    %mul3A_2 = arith.muli %add3A, %mul3A_1 : i32
    %broadcast_in_dim3A = arith.constant 0.000000e+00 : f32
    %broadcast_in_dim3A_3 = vector.broadcast %broadcast_in_dim3A : f32 to vector<16xf32>
    %iota3A = tpu.iota {dimensions = array<i32: 0>} : vector<16xi32>
    %mul3A_4 = arith.constant 515 : i32
    %mul3A_5 = vector.broadcast %mul3A_4 : i32 to vector<16xi32>
    %mul3A_6 = arith.muli %iota3A, %mul3A_5 : vector<16xi32>
    %swap3A = arith.constant 8192 : index
    %swap3A_7 = tpu.vector_load %arg6[%swap3A] {strides = array<i32>} : memref<8240xf32, #tpu.memory_space<vmem>>, vector<16xf32>,
    tpu.vector_store %arg6[%swap3A], %broadcast_in_dim3A_3 {strides = array<i32>} : memref<8240xf32, #tpu.memory_space<vmem>>, vector<16xf32>,
    %swap3A_8 = arith.constant 8208 : index
    %swap3A_9 = tpu.vector_load %arg6[%swap3A_8] {strides = array<i32>} : memref<8240xf32, #tpu.memory_space<vmem>>, vector<16xf32>,
    tpu.vector_store %arg6[%swap3A_8], %broadcast_in_dim3A_3 {strides = array<i32>} : memref<8240xf32, #tpu.memory_space<vmem>>, vector<16xf32>,
    %swap3A_10 = arith.constant 8224 : index
    %swap3A_11 = tpu.vector_load %arg6[%swap3A_10] {strides = array<i32>} : memref<8240xf32, #tpu.memory_space<vmem>>, vector<16xf32>,
    tpu.vector_store %arg6[%swap3A_10], %broadcast_in_dim3A_3 {strides = array<i32>} : memref<8240xf32, #tpu.memory_space<vmem>>, vector<16xf32>,
    %swap3A_12 = arith.constant 8192 : index
    %swap3A_13 = tpu.vector_load %arg7[%swap3A_12] {strides = array<i32>} : memref<8240xf32, #tpu.memory_space<vmem>>, vector<16xf32>,
    tpu.vector_store %arg7[%swap3A_12], %broadcast_in_dim3A_3 {strides = array<i32>} : memref<8240xf32, #tpu.memory_space<vmem>>, vector<16xf32>,
    %swap3A_14 = arith.constant 8208 : index
    %swap3A_15 = tpu.vector_load %arg7[%swap3A_14] {strides = array<i32>} : memref<8240xf32, #tpu.memory_space<vmem>>, vector<16xf32>,
    tpu.vector_store %arg7[%swap3A_14], %broadcast_in_dim3A_3 {strides = array<i32>} : memref<8240xf32, #tpu.memory_space<vmem>>, vector<16xf32>,
    %swap3A_16 = arith.constant 8224 : index
    %swap3A_17 = tpu.vector_load %arg7[%swap3A_16] {strides = array<i32>} : memref<8240xf32, #tpu.memory_space<vmem>>, vector<16xf32>,
    tpu.vector_store %arg7[%swap3A_16], %broadcast_in_dim3A_3 {strides = array<i32>} : memref<8240xf32, #tpu.memory_space<vmem>>, vector<16xf32>,
    %swap3A_18 = arith.constant 8192 : index
    %swap3A_19 = tpu.vector_load %arg9[%swap3A_18] {strides = array<i32>} : memref<8240xf32, #tpu.memory_space<vmem>>, vector<16xf32>,
    tpu.vector_store %arg9[%swap3A_18], %broadcast_in_dim3A_3 {strides = array<i32>} : memref<8240xf32, #tpu.memory_space<vmem>>, vector<16xf32>,
    %swap3A_20 = arith.constant 8208 : index
    %swap3A_21 = tpu.vector_load %arg9[%swap3A_20] {strides = array<i32>} : memref<8240xf32, #tpu.memory_space<vmem>>, vector<16xf32>,
    tpu.vector_store %arg9[%swap3A_20], %broadcast_in_dim3A_3 {strides = array<i32>} : memref<8240xf32, #tpu.memory_space<vmem>>, vector<16xf32>,
    %swap3A_22 = arith.constant 8224 : index
    %swap3A_23 = tpu.vector_load %arg9[%swap3A_22] {strides = array<i32>} : memref<8240xf32, #tpu.memory_space<vmem>>, vector<16xf32>,
    tpu.vector_store %arg9[%swap3A_22], %broadcast_in_dim3A_3 {strides = array<i32>} : memref<8240xf32, #tpu.memory_space<vmem>>, vector<16xf32>,
    %swap3A_24 = arith.constant 8192 : index
    %swap3A_25 = tpu.vector_load %arg10[%swap3A_24] {strides = array<i32>} : memref<8240xf32, #tpu.memory_space<vmem>>, vector<16xf32>,
    tpu.vector_store %arg10[%swap3A_24], %broadcast_in_dim3A_3 {strides = array<i32>} : memref<8240xf32, #tpu.memory_space<vmem>>, vector<16xf32>,
    %swap3A_26 = arith.constant 8208 : index
    %swap3A_27 = tpu.vector_load %arg10[%swap3A_26] {strides = array<i32>} : memref<8240xf32, #tpu.memory_space<vmem>>, vector<16xf32>,
    tpu.vector_store %arg10[%swap3A_26], %broadcast_in_dim3A_3 {strides = array<i32>} : memref<8240xf32, #tpu.memory_space<vmem>>, vector<16xf32>,
    %swap3A_28 = arith.constant 8224 : index
    %swap3A_29 = tpu.vector_load %arg10[%swap3A_28] {strides = array<i32>} : memref<8240xf32, #tpu.memory_space<vmem>>, vector<16xf32>,
    tpu.vector_store %arg10[%swap3A_28], %broadcast_in_dim3A_3 {strides = array<i32>} : memref<8240xf32, #tpu.memory_space<vmem>>, vector<16xf32>,
    %dma_start3A = arith.constant 0 : i32
    %dma_start3A_30 = tpu.memref_slice %arg6[%dma_start3A] : memref<8240xf32, #tpu.memory_space<vmem>> -> memref<8193xf32, #tpu.memory_space<vmem>>
    %dma_start3A_31 = arith.constant 0 : i32
    %dma_start3A_32 = tpu.memref_slice %arg2[%mul3A_2, %dma_start3A_31] : memref<1024x8193xf32, #tpu.memory_space<hbm>> -> memref<1x8193xf32, #tpu.memory_space<hbm>>
    %dma_start3A_33 = tpu.memref_squeeze %dma_start3A_32 : memref<1x8193xf32, #tpu.memory_space<hbm>> -> memref<8193xf32, #tpu.memory_space<hbm>>
    %dma_start3A_34 = arith.constant 0 : i32
    %dma_start3A_35 = tpu.memref_slice %arg6[%dma_start3A_34] : memref<8240xf32, #tpu.memory_space<vmem>> -> memref<8193xf32, #tpu.memory_space<vmem>>
    %dma_start3A_36 = arith.constant 0 : i32
    %dma_start3A_37 = tpu.memref_slice %arg2[%mul3A_2, %dma_start3A_36] : memref<1024x8193xf32, #tpu.memory_space<hbm>> -> memref<1x8193xf32, #tpu.memory_space<hbm>>
    %dma_start3A_38 = tpu.memref_squeeze %dma_start3A_37 : memref<1x8193xf32, #tpu.memory_space<hbm>> -> memref<8193xf32, #tpu.memory_space<hbm>>
    tpu.enqueue_dma source(%dma_start3A_38 : memref<8193xf32, #tpu.memory_space<hbm>>) target(%dma_start3A_35 : memref<8193xf32, #tpu.memory_space<vmem>>) target_semaphore(%arg14 : memref<!tpu.dma_semaphore, #tpu.memory_space<semaphore_mem>>)
    %dma_start3A_39 = arith.constant 0 : i32
    %dma_start3A_40 = tpu.memref_slice %arg7[%dma_start3A_39] : memref<8240xf32, #tpu.memory_space<vmem>> -> memref<8193xf32, #tpu.memory_space<vmem>>
    %dma_start3A_41 = arith.constant 0 : i32
    %dma_start3A_42 = tpu.memref_slice %arg3[%mul3A_2, %dma_start3A_41] : memref<1024x8193xf32, #tpu.memory_space<hbm>> -> memref<1x8193xf32, #tpu.memory_space<hbm>>
    %dma_start3A_43 = tpu.memref_squeeze %dma_start3A_42 : memref<1x8193xf32, #tpu.memory_space<hbm>> -> memref<8193xf32, #tpu.memory_space<hbm>>
    %dma_start3A_44 = arith.constant 0 : i32
    %dma_start3A_45 = tpu.memref_slice %arg7[%dma_start3A_44] : memref<8240xf32, #tpu.memory_space<vmem>> -> memref<8193xf32, #tpu.memory_space<vmem>>
    %dma_start3A_46 = arith.constant 0 : i32
    %dma_start3A_47 = tpu.memref_slice %arg3[%mul3A_2, %dma_start3A_46] : memref<1024x8193xf32, #tpu.memory_space<hbm>> -> memref<1x8193xf32, #tpu.memory_space<hbm>>
    %dma_start3A_48 = tpu.memref_squeeze %dma_start3A_47 : memref<1x8193xf32, #tpu.memory_space<hbm>> -> memref<8193xf32, #tpu.memory_space<hbm>>
    tpu.enqueue_dma source(%dma_start3A_48 : memref<8193xf32, #tpu.memory_space<hbm>>) target(%dma_start3A_45 : memref<8193xf32, #tpu.memory_space<vmem>>) target_semaphore(%arg14 : memref<!tpu.dma_semaphore, #tpu.memory_space<semaphore_mem>>)
    %dma_start3A_49 = arith.constant 0 : i32
    %dma_start3A_50 = tpu.memref_slice %arg4[%mul3A_2, %dma_start3A_49] : memref<1024x16xf32, #tpu.memory_space<hbm>> -> memref<1x16xf32, #tpu.memory_space<hbm>>
    %dma_start3A_51 = tpu.memref_squeeze %dma_start3A_50 : memref<1x16xf32, #tpu.memory_space<hbm>> -> memref<16xf32, #tpu.memory_space<hbm>>
    %dma_start3A_52 = arith.constant 0 : i32
    %dma_start3A_53 = tpu.memref_slice %arg4[%mul3A_2, %dma_start3A_52] : memref<1024x16xf32, #tpu.memory_space<hbm>> -> memref<1x16xf32, #tpu.memory_space<hbm>>
    %dma_start3A_54 = tpu.memref_squeeze %dma_start3A_53 : memref<1x16xf32, #tpu.memory_space<hbm>> -> memref<16xf32, #tpu.memory_space<hbm>>
    tpu.enqueue_dma source(%dma_start3A_54 : memref<16xf32, #tpu.memory_space<hbm>>) target(%arg8 : memref<16xf32, #tpu.memory_space<vmem>>) target_semaphore(%arg14 : memref<!tpu.dma_semaphore, #tpu.memory_space<semaphore_mem>>)
    %scan3A = arith.constant 0 : i32
    %scan3A_55 = arith.constant 16 : i32
    %scan3A_56 = arith.addi %scan3A, %scan3A_55 : i32
    %scan3A_57 = arith.constant 1 : i32
    %scan3A_58:2 = scf.for %scan3A_64 = %scan3A to %scan3A_56 step %scan3A_57 iter_args(%scan3A_65 = %broadcast_in_dim3A_3, %scan3A_66 = %broadcast_in_dim3A_3) -> (vector<16xf32>, vector<16xf32>)  : i32 {
      %mul3A_67 = arith.constant 2 : i32
      %mul3A_68 = arith.muli %mul3A_67, %scan3A_64 : i32
      %add3A_69 = arith.addi %mul3A_2, %mul3A_68 : i32
      %add3A_70 = arith.constant 1 : i32
      %add3A_71 = arith.addi %add3A_69, %add3A_70 : i32
      %dma_start3A_72 = arith.constant 0 : i32
      %dma_start3A_73 = tpu.memref_slice %arg9[%dma_start3A_72] : memref<8240xf32, #tpu.memory_space<vmem>> -> memref<8193xf32, #tpu.memory_space<vmem>>
      %dma_start3A_74 = arith.constant 0 : i32
      %dma_start3A_75 = tpu.memref_slice %arg2[%add3A_71, %dma_start3A_74] : memref<1024x8193xf32, #tpu.memory_space<hbm>> -> memref<1x8193xf32, #tpu.memory_space<hbm>>
      %dma_start3A_76 = tpu.memref_squeeze %dma_start3A_75 : memref<1x8193xf32, #tpu.memory_space<hbm>> -> memref<8193xf32, #tpu.memory_space<hbm>>
      %dma_start3A_77 = arith.constant 0 : i32
      %dma_start3A_78 = tpu.memref_slice %arg9[%dma_start3A_77] : memref<8240xf32, #tpu.memory_space<vmem>> -> memref<8193xf32, #tpu.memory_space<vmem>>
      %dma_start3A_79 = arith.constant 0 : i32
      %dma_start3A_80 = tpu.memref_slice %arg2[%add3A_71, %dma_start3A_79] : memref<1024x8193xf32, #tpu.memory_space<hbm>> -> memref<1x8193xf32, #tpu.memory_space<hbm>>
      %dma_start3A_81 = tpu.memref_squeeze %dma_start3A_80 : memref<1x8193xf32, #tpu.memory_space<hbm>> -> memref<8193xf32, #tpu.memory_space<hbm>>
      tpu.enqueue_dma source(%dma_start3A_81 : memref<8193xf32, #tpu.memory_space<hbm>>) target(%dma_start3A_78 : memref<8193xf32, #tpu.memory_space<vmem>>) target_semaphore(%arg15 : memref<!tpu.dma_semaphore, #tpu.memory_space<semaphore_mem>>)
      %dma_start3A_82 = arith.constant 0 : i32
      %dma_start3A_83 = tpu.memref_slice %arg10[%dma_start3A_82] : memref<8240xf32, #tpu.memory_space<vmem>> -> memref<8193xf32, #tpu.memory_space<vmem>>
      %dma_start3A_84 = arith.constant 0 : i32
      %dma_start3A_85 = tpu.memref_slice %arg3[%add3A_71, %dma_start3A_84] : memref<1024x8193xf32, #tpu.memory_space<hbm>> -> memref<1x8193xf32, #tpu.memory_space<hbm>>
      %dma_start3A_86 = tpu.memref_squeeze %dma_start3A_85 : memref<1x8193xf32, #tpu.memory_space<hbm>> -> memref<8193xf32, #tpu.memory_space<hbm>>
      %dma_start3A_87 = arith.constant 0 : i32
      %dma_start3A_88 = tpu.memref_slice %arg10[%dma_start3A_87] : memref<8240xf32, #tpu.memory_space<vmem>> -> memref<8193xf32, #tpu.memory_space<vmem>>
      %dma_start3A_89 = arith.constant 0 : i32
      %dma_start3A_90 = tpu.memref_slice %arg3[%add3A_71, %dma_start3A_89] : memref<1024x8193xf32, #tpu.memory_space<hbm>> -> memref<1x8193xf32, #tpu.memory_space<hbm>>
      %dma_start3A_91 = tpu.memref_squeeze %dma_start3A_90 : memref<1x8193xf32, #tpu.memory_space<hbm>> -> memref<8193xf32, #tpu.memory_space<hbm>>
      tpu.enqueue_dma source(%dma_start3A_91 : memref<8193xf32, #tpu.memory_space<hbm>>) target(%dma_start3A_88 : memref<8193xf32, #tpu.memory_space<vmem>>) target_semaphore(%arg15 : memref<!tpu.dma_semaphore, #tpu.memory_space<semaphore_mem>>)
      %dma_start3A_92 = arith.constant 0 : i32
      %dma_start3A_93 = tpu.memref_slice %arg4[%add3A_71, %dma_start3A_92] : memref<1024x16xf32, #tpu.memory_space<hbm>> -> memref<1x16xf32, #tpu.memory_space<hbm>>
      %dma_start3A_94 = tpu.memref_squeeze %dma_start3A_93 : memref<1x16xf32, #tpu.memory_space<hbm>> -> memref<16xf32, #tpu.memory_space<hbm>>
      %dma_start3A_95 = arith.constant 0 : i32
      %dma_start3A_96 = tpu.memref_slice %arg4[%add3A_71, %dma_start3A_95] : memref<1024x16xf32, #tpu.memory_space<hbm>> -> memref<1x16xf32, #tpu.memory_space<hbm>>
      %dma_start3A_97 = tpu.memref_squeeze %dma_start3A_96 : memref<1x16xf32, #tpu.memory_space<hbm>> -> memref<16xf32, #tpu.memory_space<hbm>>
      tpu.enqueue_dma source(%dma_start3A_97 : memref<16xf32, #tpu.memory_space<hbm>>) target(%arg11 : memref<16xf32, #tpu.memory_space<vmem>>) target_semaphore(%arg15 : memref<!tpu.dma_semaphore, #tpu.memory_space<semaphore_mem>>)
      %dma_wait3A = arith.constant 0 : i32
      %dma_wait3A_98 = tpu.memref_slice %arg6[%dma_wait3A] : memref<8240xf32, #tpu.memory_space<vmem>> -> memref<8193xf32, #tpu.memory_space<vmem>>
      %dma_wait3A_99 = arith.constant 0 : i32
      %dma_wait3A_100 = tpu.memref_slice %arg2[%add3A_69, %dma_wait3A_99] : memref<1024x8193xf32, #tpu.memory_space<hbm>> -> memref<1x8193xf32, #tpu.memory_space<hbm>>
      %dma_wait3A_101 = tpu.memref_squeeze %dma_wait3A_100 : memref<1x8193xf32, #tpu.memory_space<hbm>> -> memref<8193xf32, #tpu.memory_space<hbm>>
      %dma_wait3A_102 = arith.constant 0 : i32
      %dma_wait3A_103 = tpu.memref_slice %arg6[%dma_wait3A_102] : memref<8240xf32, #tpu.memory_space<vmem>> -> memref<8193xf32, #tpu.memory_space<vmem>>
      %dma_wait3A_104 = arith.constant 0 : i32
      %dma_wait3A_105 = tpu.memref_slice %arg2[%add3A_69, %dma_wait3A_104] : memref<1024x8193xf32, #tpu.memory_space<hbm>> -> memref<1x8193xf32, #tpu.memory_space<hbm>>
      %dma_wait3A_106 = tpu.memref_squeeze %dma_wait3A_105 : memref<1x8193xf32, #tpu.memory_space<hbm>> -> memref<8193xf32, #tpu.memory_space<hbm>>
      tpu.wait_dma2 semaphore(%arg14 : memref<!tpu.dma_semaphore, #tpu.memory_space<semaphore_mem>>) src(%dma_wait3A_106 : memref<8193xf32, #tpu.memory_space<hbm>>) dst(%dma_wait3A_103 : memref<8193xf32, #tpu.memory_space<vmem>>)
      %dma_wait3A_107 = arith.constant 0 : i32
      %dma_wait3A_108 = tpu.memref_slice %arg7[%dma_wait3A_107] : memref<8240xf32, #tpu.memory_space<vmem>> -> memref<8193xf32, #tpu.memory_space<vmem>>
      %dma_wait3A_109 = arith.constant 0 : i32
      %dma_wait3A_110 = tpu.memref_slice %arg3[%add3A_69, %dma_wait3A_109] : memref<1024x8193xf32, #tpu.memory_space<hbm>> -> memref<1x8193xf32, #tpu.memory_space<hbm>>
      %dma_wait3A_111 = tpu.memref_squeeze %dma_wait3A_110 : memref<1x8193xf32, #tpu.memory_space<hbm>> -> memref<8193xf32, #tpu.memory_space<hbm>>
      %dma_wait3A_112 = arith.constant 0 : i32
      %dma_wait3A_113 = tpu.memref_slice %arg7[%dma_wait3A_112] : memref<8240xf32, #tpu.memory_space<vmem>> -> memref<8193xf32, #tpu.memory_space<vmem>>
      %dma_wait3A_114 = arith.constant 0 : i32
      %dma_wait3A_115 = tpu.memref_slice %arg3[%add3A_69, %dma_wait3A_114] : memref<1024x8193xf32, #tpu.memory_space<hbm>> -> memref<1x8193xf32, #tpu.memory_space<hbm>>
      %dma_wait3A_116 = tpu.memref_squeeze %dma_wait3A_115 : memref<1x8193xf32, #tpu.memory_space<hbm>> -> memref<8193xf32, #tpu.memory_space<hbm>>
      tpu.wait_dma2 semaphore(%arg14 : memref<!tpu.dma_semaphore, #tpu.memory_space<semaphore_mem>>) src(%dma_wait3A_116 : memref<8193xf32, #tpu.memory_space<hbm>>) dst(%dma_wait3A_113 : memref<8193xf32, #tpu.memory_space<vmem>>)
      %dma_wait3A_117 = arith.constant 0 : i32
      %dma_wait3A_118 = tpu.memref_slice %arg4[%add3A_69, %dma_wait3A_117] : memref<1024x16xf32, #tpu.memory_space<hbm>> -> memref<1x16xf32, #tpu.memory_space<hbm>>
      %dma_wait3A_119 = tpu.memref_squeeze %dma_wait3A_118 : memref<1x16xf32, #tpu.memory_space<hbm>> -> memref<16xf32, #tpu.memory_space<hbm>>
      %dma_wait3A_120 = arith.constant 0 : i32
      %dma_wait3A_121 = tpu.memref_slice %arg4[%add3A_69, %dma_wait3A_120] : memref<1024x16xf32, #tpu.memory_space<hbm>> -> memref<1x16xf32, #tpu.memory_space<hbm>>
      %dma_wait3A_122 = tpu.memref_squeeze %dma_wait3A_121 : memref<1x16xf32, #tpu.memory_space<hbm>> -> memref<16xf32, #tpu.memory_space<hbm>>
      tpu.wait_dma2 semaphore(%arg14 : memref<!tpu.dma_semaphore, #tpu.memory_space<semaphore_mem>>) src(%dma_wait3A_122 : memref<16xf32, #tpu.memory_space<hbm>>) dst(%arg8 : memref<16xf32, #tpu.memory_space<vmem>>)
      %mul3A_123 = arith.constant 2 : i32
      %mul3A_124 = arith.muli %mul3A_123, %scan3A_64 : i32
      %get3A = arith.constant 0 : index
      %get3A_125 = tpu.vector_load %arg8[%get3A] {strides = array<i32>} : memref<16xf32, #tpu.memory_space<vmem>>, vector<16xf32>,
      %broadcast_in_dim3A_126 = arith.constant true
      %broadcast_in_dim3A_127 = vector.broadcast %broadcast_in_dim3A_126 : i1 to vector<16xi1>
      %masked_cumsum3A = tpu.scan <sum>, %get3A_125 masked %broadcast_in_dim3A_127 : vector<16xf32>, vector<16xi1> -> vector<16xf32>
      %sub3A = arith.subf %masked_cumsum3A, %get3A_125 : vector<16xf32>
      %reduce_sum3A = arith.constant true
      %reduce_sum3A_128 = vector.broadcast %reduce_sum3A : i1 to vector<16xi1>
      %reduce_sum3A_129 = tpu.scan <sum>, %get3A_125 masked %reduce_sum3A_128 : vector<16xf32>, vector<16xi1> -> vector<16xf32>
      %reduce_sum3A_130 = vector.extract %reduce_sum3A_129[15] : f32 from vector<16xf32>
      %broadcast_in_dim3A_131 = vector.broadcast %reduce_sum3A_130 : f32 to vector<16xf32>
      %broadcast_in_dim3A_132 = arith.constant 1.600000e+01 : f32
      %broadcast_in_dim3A_133 = vector.broadcast %broadcast_in_dim3A_132 : f32 to vector<16xf32>
      %div3A = arith.divf %broadcast_in_dim3A_133, %broadcast_in_dim3A_131 : vector<16xf32>
      %swap3A_134 = arith.constant 0 : index
      %swap3A_135 = tpu.vector_load %arg12[%swap3A_134] {strides = array<i32>} : memref<32xf32, #tpu.memory_space<vmem>>, vector<16xf32>,
      tpu.vector_store %arg12[%swap3A_134], %broadcast_in_dim3A_3 {strides = array<i32>} : memref<32xf32, #tpu.memory_space<vmem>>, vector<16xf32>,
      %scan3A_136 = arith.constant 0 : i32
      %scan3A_137 = arith.constant 103 : i32
      %scan3A_138 = arith.addi %scan3A_136, %scan3A_137 : i32
      %scan3A_139 = arith.constant 1 : i32
      %scan3A_140:3 = scf.for %scan3A_270 = %scan3A_136 to %scan3A_138 step %scan3A_139 iter_args(%scan3A_271 = %sub3A, %scan3A_272 = %broadcast_in_dim3A_3, %scan3A_273 = %mul3A_6) -> (vector<16xf32>, vector<16xf32>, vector<16xi32>)  : i32 {
        %add3A_274 = arith.constant 0 : i32
        %add3A_275 = vector.broadcast %add3A_274 : i32 to vector<16xi32>
        %add3A_276 = arith.addi %scan3A_273, %add3A_275 : vector<16xi32>
        %gather3A = tpu.vector_load_idx %arg6[%add3A_276] : memref<8240xf32, #tpu.memory_space<vmem>>[vector<16xi32>], vector<16xf32>,
        %add3A_277 = arith.constant 1 : i32
        %add3A_278 = vector.broadcast %add3A_277 : i32 to vector<16xi32>
        %add3A_279 = arith.addi %scan3A_273, %add3A_278 : vector<16xi32>
        %gather3A_280 = tpu.vector_load_idx %arg6[%add3A_279] : memref<8240xf32, #tpu.memory_space<vmem>>[vector<16xi32>], vector<16xf32>,
        %add3A_281 = arith.constant 2 : i32
        %add3A_282 = vector.broadcast %add3A_281 : i32 to vector<16xi32>
        %add3A_283 = arith.addi %scan3A_273, %add3A_282 : vector<16xi32>
        %gather3A_284 = tpu.vector_load_idx %arg6[%add3A_283] : memref<8240xf32, #tpu.memory_space<vmem>>[vector<16xi32>], vector<16xf32>,
        %add3A_285 = arith.constant 3 : i32
        %add3A_286 = vector.broadcast %add3A_285 : i32 to vector<16xi32>
        %add3A_287 = arith.addi %scan3A_273, %add3A_286 : vector<16xi32>
        %gather3A_288 = tpu.vector_load_idx %arg6[%add3A_287] : memref<8240xf32, #tpu.memory_space<vmem>>[vector<16xi32>], vector<16xf32>,
        %add3A_289 = arith.constant 4 : i32
        %add3A_290 = vector.broadcast %add3A_289 : i32 to vector<16xi32>
        %add3A_291 = arith.addi %scan3A_273, %add3A_290 : vector<16xi32>
        %gather3A_292 = tpu.vector_load_idx %arg6[%add3A_291] : memref<8240xf32, #tpu.memory_space<vmem>>[vector<16xi32>], vector<16xf32>,
        %add3A_293 = arith.constant 0 : i32
        %add3A_294 = vector.broadcast %add3A_293 : i32 to vector<16xi32>
        %add3A_295 = arith.addi %scan3A_273, %add3A_294 : vector<16xi32>
        %gather3A_296 = tpu.vector_load_idx %arg7[%add3A_295] : memref<8240xf32, #tpu.memory_space<vmem>>[vector<16xi32>], vector<16xf32>,
        %add3A_297 = arith.constant 1 : i32
        %add3A_298 = vector.broadcast %add3A_297 : i32 to vector<16xi32>
        %add3A_299 = arith.addi %scan3A_273, %add3A_298 : vector<16xi32>
        %gather3A_300 = tpu.vector_load_idx %arg7[%add3A_299] : memref<8240xf32, #tpu.memory_space<vmem>>[vector<16xi32>], vector<16xf32>,
        %add3A_301 = arith.constant 2 : i32
        %add3A_302 = vector.broadcast %add3A_301 : i32 to vector<16xi32>
        %add3A_303 = arith.addi %scan3A_273, %add3A_302 : vector<16xi32>
        %gather3A_304 = tpu.vector_load_idx %arg7[%add3A_303] : memref<8240xf32, #tpu.memory_space<vmem>>[vector<16xi32>], vector<16xf32>,
        %add3A_305 = arith.constant 3 : i32
        %add3A_306 = vector.broadcast %add3A_305 : i32 to vector<16xi32>
        %add3A_307 = arith.addi %scan3A_273, %add3A_306 : vector<16xi32>
        %gather3A_308 = tpu.vector_load_idx %arg7[%add3A_307] : memref<8240xf32, #tpu.memory_space<vmem>>[vector<16xi32>], vector<16xf32>,
        %add3A_309 = arith.constant 4 : i32
        %add3A_310 = vector.broadcast %add3A_309 : i32 to vector<16xi32>
        %add3A_311 = arith.addi %scan3A_273, %add3A_310 : vector<16xi32>
        %gather3A_312 = tpu.vector_load_idx %arg7[%add3A_311] : memref<8240xf32, #tpu.memory_space<vmem>>[vector<16xi32>], vector<16xf32>,
        %mul3A_313 = arith.mulf %gather3A, %gather3A : vector<16xf32>
        %mul3A_314 = arith.mulf %gather3A_280, %gather3A_280 : vector<16xf32>
        %mul3A_315 = arith.mulf %gather3A_284, %gather3A_284 : vector<16xf32>
        %mul3A_316 = arith.mulf %gather3A_288, %gather3A_288 : vector<16xf32>
        %mul3A_317 = arith.mulf %gather3A_292, %gather3A_292 : vector<16xf32>
        %add3A_318 = arith.addf %mul3A_313, %mul3A_314 : vector<16xf32>
        %add3A_319 = arith.addf %mul3A_315, %mul3A_316 : vector<16xf32>
        %add3A_320 = arith.addf %add3A_318, %mul3A_315 : vector<16xf32>
        %add3A_321 = arith.addf %add3A_318, %add3A_319 : vector<16xf32>
        %mul3A_322 = arith.mulf %gather3A, %gather3A_296 : vector<16xf32>
        %mul3A_323 = arith.mulf %gather3A_280, %gather3A_300 : vector<16xf32>
        %mul3A_324 = arith.mulf %gather3A_284, %gather3A_304 : vector<16xf32>
        %mul3A_325 = arith.mulf %gather3A_288, %gather3A_308 : vector<16xf32>
        %mul3A_326 = arith.mulf %gather3A_292, %gather3A_312 : vector<16xf32>
        %mul3A_327 = arith.mulf %scan3A_271, %div3A : vector<16xf32>
        %convert_element_type3A_328 = arith.fptosi %mul3A_327 : vector<16xf32> to vector<16xi32>
        %gt3A = arith.constant 0.000000e+00 : f32
        %gt3A_329 = vector.broadcast %gt3A : f32 to vector<16xf32>
        %gt3A_330 = arith.cmpf ogt, %mul3A_327, %gt3A_329 : vector<16xf32>
        tpu.vector_store_idx %arg12[%convert_element_type3A_328], %mul3A_322 masked %gt3A_330 {add = true} : memref<32xf32, #tpu.memory_space<vmem>>[vector<16xi32>], vector<16xf32>, vector<16xi1>
        %add3A_331 = arith.addf %scan3A_271, %mul3A_313 : vector<16xf32>
        %mul3A_332 = arith.mulf %add3A_331, %div3A : vector<16xf32>
        %convert_element_type3A_333 = arith.fptosi %mul3A_332 : vector<16xf32> to vector<16xi32>
        %gt3A_334 = arith.constant 0.000000e+00 : f32
        %gt3A_335 = vector.broadcast %gt3A_334 : f32 to vector<16xf32>
        %gt3A_336 = arith.cmpf ogt, %mul3A_332, %gt3A_335 : vector<16xf32>
        tpu.vector_store_idx %arg12[%convert_element_type3A_333], %mul3A_323 masked %gt3A_336 {add = true} : memref<32xf32, #tpu.memory_space<vmem>>[vector<16xi32>], vector<16xf32>, vector<16xi1>
        %add3A_337 = arith.addf %scan3A_271, %add3A_318 : vector<16xf32>
        %mul3A_338 = arith.mulf %add3A_337, %div3A : vector<16xf32>
        %convert_element_type3A_339 = arith.fptosi %mul3A_338 : vector<16xf32> to vector<16xi32>
        %gt3A_340 = arith.constant 0.000000e+00 : f32
        %gt3A_341 = vector.broadcast %gt3A_340 : f32 to vector<16xf32>
        %gt3A_342 = arith.cmpf ogt, %mul3A_338, %gt3A_341 : vector<16xf32>
        tpu.vector_store_idx %arg12[%convert_element_type3A_339], %mul3A_324 masked %gt3A_342 {add = true} : memref<32xf32, #tpu.memory_space<vmem>>[vector<16xi32>], vector<16xf32>, vector<16xi1>
        %add3A_343 = arith.addf %scan3A_271, %add3A_320 : vector<16xf32>
        %mul3A_344 = arith.mulf %add3A_343, %div3A : vector<16xf32>
        %convert_element_type3A_345 = arith.fptosi %mul3A_344 : vector<16xf32> to vector<16xi32>
        %gt3A_346 = arith.constant 0.000000e+00 : f32
        %gt3A_347 = vector.broadcast %gt3A_346 : f32 to vector<16xf32>
        %gt3A_348 = arith.cmpf ogt, %mul3A_344, %gt3A_347 : vector<16xf32>
        tpu.vector_store_idx %arg12[%convert_element_type3A_345], %mul3A_325 masked %gt3A_348 {add = true} : memref<32xf32, #tpu.memory_space<vmem>>[vector<16xi32>], vector<16xf32>, vector<16xi1>
        %add3A_349 = arith.addf %scan3A_271, %add3A_321 : vector<16xf32>
        %mul3A_350 = arith.mulf %add3A_349, %div3A : vector<16xf32>
        %convert_element_type3A_351 = arith.fptosi %mul3A_350 : vector<16xf32> to vector<16xi32>
        %gt3A_352 = arith.constant 0.000000e+00 : f32
        %gt3A_353 = vector.broadcast %gt3A_352 : f32 to vector<16xf32>
        %gt3A_354 = arith.cmpf ogt, %mul3A_350, %gt3A_353 : vector<16xf32>
        tpu.vector_store_idx %arg12[%convert_element_type3A_351], %mul3A_326 masked %gt3A_354 {add = true} : memref<32xf32, #tpu.memory_space<vmem>>[vector<16xi32>], vector<16xf32>, vector<16xi1>
        %add3A_355 = arith.addf %mul3A_322, %mul3A_323 : vector<16xf32>
        %add3A_356 = arith.addf %mul3A_324, %mul3A_325 : vector<16xf32>
        %add3A_357 = arith.addf %add3A_355, %add3A_356 : vector<16xf32>
        %add3A_358 = arith.addf %add3A_357, %mul3A_326 : vector<16xf32>
        %add3A_359 = arith.addf %scan3A_272, %add3A_358 : vector<16xf32>
        %add3A_360 = arith.addf %add3A_318, %add3A_319 : vector<16xf32>
        %add3A_361 = arith.addf %add3A_360, %mul3A_317 : vector<16xf32>
        %add3A_362 = arith.addf %scan3A_271, %add3A_361 : vector<16xf32>
        %add3A_363 = arith.constant 5 : i32
        %add3A_364 = vector.broadcast %add3A_363 : i32 to vector<16xi32>
        %add3A_365 = arith.addi %scan3A_273, %add3A_364 : vector<16xi32>
        scf.yield %add3A_362, %add3A_359, %add3A_365 : vector<16xf32>, vector<16xf32>, vector<16xi32>
      }
      %scan3A_141 = arith.constant 103 : i32
      %reduce_sum3A_142 = arith.constant true
      %reduce_sum3A_143 = vector.broadcast %reduce_sum3A_142 : i1 to vector<16xi1>
      %reduce_sum3A_144 = tpu.scan <sum>, %scan3A_140#1 masked %reduce_sum3A_143 : vector<16xf32>, vector<16xi1> -> vector<16xf32>
      %reduce_sum3A_145 = vector.extract %reduce_sum3A_144[15] : f32 from vector<16xf32>
      %broadcast_in_dim3A_146 = vector.broadcast %reduce_sum3A_145 : f32 to vector<16xf32>
      %get3A_147 = arith.constant 0 : index
      %get3A_148 = tpu.vector_load %arg12[%get3A_147] {strides = array<i32>} : memref<32xf32, #tpu.memory_space<vmem>>, vector<16xf32>,
      %mul3A_149 = arith.constant 6.250000e-02 : f32
      %mul3A_150 = vector.broadcast %mul3A_149 : f32 to vector<16xf32>
      %mul3A_151 = arith.mulf %broadcast_in_dim3A_146, %mul3A_150 : vector<16xf32>
      %sub3A_152 = arith.subf %get3A_148, %mul3A_151 : vector<16xf32>
      %mul3A_153 = arith.mulf %sub3A_152, %sub3A_152 : vector<16xf32>
      %reduce_sum3A_154 = arith.constant true
      %reduce_sum3A_155 = vector.broadcast %reduce_sum3A_154 : i1 to vector<16xi1>
      %reduce_sum3A_156 = tpu.scan <sum>, %mul3A_153 masked %reduce_sum3A_155 : vector<16xf32>, vector<16xi1> -> vector<16xf32>
      %reduce_sum3A_157 = vector.extract %reduce_sum3A_156[15] : f32 from vector<16xf32>
      %broadcast_in_dim3A_158 = vector.broadcast %reduce_sum3A_157 : f32 to vector<16xf32>
      %mul3A_159 = arith.mulf %broadcast_in_dim3A_158, %div3A : vector<16xf32>
      %mul3A_160 = arith.constant 0.0333333351 : f32
      %mul3A_161 = vector.broadcast %mul3A_160 : f32 to vector<16xf32>
      %mul3A_162 = arith.mulf %mul3A_159, %mul3A_161 : vector<16xf32>
      %eq3A = vector.broadcast %mul3A_124 : i32 to vector<16xi32>
      %eq3A_163 = arith.cmpi eq, %iota3A, %eq3A : vector<16xi32>
      %lt3A = arith.constant 16 : i32
      %lt3A_164 = arith.cmpi slt, %mul3A_124, %lt3A : i32
      %and3A = vector.broadcast %lt3A_164 : i1 to vector<16xi1>
      %and3A_165 = arith.andi %eq3A_163, %and3A : vector<16xi1>
      %select_n3A = arith.select %and3A_165, %mul3A_162, %broadcast_in_dim3A_3 : vector<16xi1>, vector<16xf32>
      %add3A_166 = arith.addf %scan3A_65, %select_n3A : vector<16xf32>
      %sub3A_167 = arith.constant 16 : i32
      %sub3A_168 = arith.subi %mul3A_124, %sub3A_167 : i32
      %eq3A_169 = vector.broadcast %sub3A_168 : i32 to vector<16xi32>
      %eq3A_170 = arith.cmpi eq, %iota3A, %eq3A_169 : vector<16xi32>
      %ge3A = arith.constant 16 : i32
      %ge3A_171 = arith.cmpi sge, %mul3A_124, %ge3A : i32
      %and3A_172 = vector.broadcast %ge3A_171 : i1 to vector<16xi1>
      %and3A_173 = arith.andi %eq3A_170, %and3A_172 : vector<16xi1>
      %select_n3A_174 = arith.select %and3A_173, %mul3A_162, %broadcast_in_dim3A_3 : vector<16xi1>, vector<16xf32>
      %add3A_175 = arith.addf %scan3A_66, %select_n3A_174 : vector<16xf32>
      %lt3A_176 = arith.constant 15 : i32
      %lt3A_177 = arith.cmpi slt, %scan3A_64, %lt3A_176 : i32
      %convert_element_type3A = arith.extui %lt3A_177 : i1 to i32
      %cond3A = arith.constant 0 : i32
      %cond3A_178 = arith.cmpi ne, %convert_element_type3A, %cond3A : i32
      scf.if %cond3A_178 {
        %add3A_270 = arith.constant 2 : i32
        %add3A_271 = arith.addi %add3A_69, %add3A_270 : i32
        %dma_start3A_272 = arith.constant 0 : i32
        %dma_start3A_273 = tpu.memref_slice %arg6[%dma_start3A_272] : memref<8240xf32, #tpu.memory_space<vmem>> -> memref<8193xf32, #tpu.memory_space<vmem>>
        %dma_start3A_274 = arith.constant 0 : i32
        %dma_start3A_275 = tpu.memref_slice %arg2[%add3A_271, %dma_start3A_274] : memref<1024x8193xf32, #tpu.memory_space<hbm>> -> memref<1x8193xf32, #tpu.memory_space<hbm>>
        %dma_start3A_276 = tpu.memref_squeeze %dma_start3A_275 : memref<1x8193xf32, #tpu.memory_space<hbm>> -> memref<8193xf32, #tpu.memory_space<hbm>>
        %dma_start3A_277 = arith.constant 0 : i32
        %dma_start3A_278 = tpu.memref_slice %arg6[%dma_start3A_277] : memref<8240xf32, #tpu.memory_space<vmem>> -> memref<8193xf32, #tpu.memory_space<vmem>>
        %dma_start3A_279 = arith.constant 0 : i32
        %dma_start3A_280 = tpu.memref_slice %arg2[%add3A_271, %dma_start3A_279] : memref<1024x8193xf32, #tpu.memory_space<hbm>> -> memref<1x8193xf32, #tpu.memory_space<hbm>>
        %dma_start3A_281 = tpu.memref_squeeze %dma_start3A_280 : memref<1x8193xf32, #tpu.memory_space<hbm>> -> memref<8193xf32, #tpu.memory_space<hbm>>
        tpu.enqueue_dma source(%dma_start3A_281 : memref<8193xf32, #tpu.memory_space<hbm>>) target(%dma_start3A_278 : memref<8193xf32, #tpu.memory_space<vmem>>) target_semaphore(%arg14 : memref<!tpu.dma_semaphore, #tpu.memory_space<semaphore_mem>>)
        %dma_start3A_282 = arith.constant 0 : i32
        %dma_start3A_283 = tpu.memref_slice %arg7[%dma_start3A_282] : memref<8240xf32, #tpu.memory_space<vmem>> -> memref<8193xf32, #tpu.memory_space<vmem>>
        %dma_start3A_284 = arith.constant 0 : i32
        %dma_start3A_285 = tpu.memref_slice %arg3[%add3A_271, %dma_start3A_284] : memref<1024x8193xf32, #tpu.memory_space<hbm>> -> memref<1x8193xf32, #tpu.memory_space<hbm>>
        %dma_start3A_286 = tpu.memref_squeeze %dma_start3A_285 : memref<1x8193xf32, #tpu.memory_space<hbm>> -> memref<8193xf32, #tpu.memory_space<hbm>>
        %dma_start3A_287 = arith.constant 0 : i32
        %dma_start3A_288 = tpu.memref_slice %arg7[%dma_start3A_287] : memref<8240xf32, #tpu.memory_space<vmem>> -> memref<8193xf32, #tpu.memory_space<vmem>>
        %dma_start3A_289 = arith.constant 0 : i32
        %dma_start3A_290 = tpu.memref_slice %arg3[%add3A_271, %dma_start3A_289] : memref<1024x8193xf32, #tpu.memory_space<hbm>> -> memref<1x8193xf32, #tpu.memory_space<hbm>>
        %dma_start3A_291 = tpu.memref_squeeze %dma_start3A_290 : memref<1x8193xf32, #tpu.memory_space<hbm>> -> memref<8193xf32, #tpu.memory_space<hbm>>
        tpu.enqueue_dma source(%dma_start3A_291 : memref<8193xf32, #tpu.memory_space<hbm>>) target(%dma_start3A_288 : memref<8193xf32, #tpu.memory_space<vmem>>) target_semaphore(%arg14 : memref<!tpu.dma_semaphore, #tpu.memory_space<semaphore_mem>>)
        %dma_start3A_292 = arith.constant 0 : i32
        %dma_start3A_293 = tpu.memref_slice %arg4[%add3A_271, %dma_start3A_292] : memref<1024x16xf32, #tpu.memory_space<hbm>> -> memref<1x16xf32, #tpu.memory_space<hbm>>
        %dma_start3A_294 = tpu.memref_squeeze %dma_start3A_293 : memref<1x16xf32, #tpu.memory_space<hbm>> -> memref<16xf32, #tpu.memory_space<hbm>>
        %dma_start3A_295 = arith.constant 0 : i32
        %dma_start3A_296 = tpu.memref_slice %arg4[%add3A_271, %dma_start3A_295] : memref<1024x16xf32, #tpu.memory_space<hbm>> -> memref<1x16xf32, #tpu.memory_space<hbm>>
        %dma_start3A_297 = tpu.memref_squeeze %dma_start3A_296 : memref<1x16xf32, #tpu.memory_space<hbm>> -> memref<16xf32, #tpu.memory_space<hbm>>
        tpu.enqueue_dma source(%dma_start3A_297 : memref<16xf32, #tpu.memory_space<hbm>>) target(%arg8 : memref<16xf32, #tpu.memory_space<vmem>>) target_semaphore(%arg14 : memref<!tpu.dma_semaphore, #tpu.memory_space<semaphore_mem>>)
      } else {
      }
      %dma_wait3A_179 = arith.constant 0 : i32
      %dma_wait3A_180 = tpu.memref_slice %arg9[%dma_wait3A_179] : memref<8240xf32, #tpu.memory_space<vmem>> -> memref<8193xf32, #tpu.memory_space<vmem>>
      %dma_wait3A_181 = arith.constant 0 : i32
      %dma_wait3A_182 = tpu.memref_slice %arg2[%add3A_71, %dma_wait3A_181] : memref<1024x8193xf32, #tpu.memory_space<hbm>> -> memref<1x8193xf32, #tpu.memory_space<hbm>>
      %dma_wait3A_183 = tpu.memref_squeeze %dma_wait3A_182 : memref<1x8193xf32, #tpu.memory_space<hbm>> -> memref<8193xf32, #tpu.memory_space<hbm>>
      %dma_wait3A_184 = arith.constant 0 : i32
      %dma_wait3A_185 = tpu.memref_slice %arg9[%dma_wait3A_184] : memref<8240xf32, #tpu.memory_space<vmem>> -> memref<8193xf32, #tpu.memory_space<vmem>>
      %dma_wait3A_186 = arith.constant 0 : i32
      %dma_wait3A_187 = tpu.memref_slice %arg2[%add3A_71, %dma_wait3A_186] : memref<1024x8193xf32, #tpu.memory_space<hbm>> -> memref<1x8193xf32, #tpu.memory_space<hbm>>
      %dma_wait3A_188 = tpu.memref_squeeze %dma_wait3A_187 : memref<1x8193xf32, #tpu.memory_space<hbm>> -> memref<8193xf32, #tpu.memory_space<hbm>>
      tpu.wait_dma2 semaphore(%arg15 : memref<!tpu.dma_semaphore, #tpu.memory_space<semaphore_mem>>) src(%dma_wait3A_188 : memref<8193xf32, #tpu.memory_space<hbm>>) dst(%dma_wait3A_185 : memref<8193xf32, #tpu.memory_space<vmem>>)
      %dma_wait3A_189 = arith.constant 0 : i32
      %dma_wait3A_190 = tpu.memref_slice %arg10[%dma_wait3A_189] : memref<8240xf32, #tpu.memory_space<vmem>> -> memref<8193xf32, #tpu.memory_space<vmem>>
      %dma_wait3A_191 = arith.constant 0 : i32
      %dma_wait3A_192 = tpu.memref_slice %arg3[%add3A_71, %dma_wait3A_191] : memref<1024x8193xf32, #tpu.memory_space<hbm>> -> memref<1x8193xf32, #tpu.memory_space<hbm>>
      %dma_wait3A_193 = tpu.memref_squeeze %dma_wait3A_192 : memref<1x8193xf32, #tpu.memory_space<hbm>> -> memref<8193xf32, #tpu.memory_space<hbm>>
      %dma_wait3A_194 = arith.constant 0 : i32
      %dma_wait3A_195 = tpu.memref_slice %arg10[%dma_wait3A_194] : memref<8240xf32, #tpu.memory_space<vmem>> -> memref<8193xf32, #tpu.memory_space<vmem>>
      %dma_wait3A_196 = arith.constant 0 : i32
      %dma_wait3A_197 = tpu.memref_slice %arg3[%add3A_71, %dma_wait3A_196] : memref<1024x8193xf32, #tpu.memory_space<hbm>> -> memref<1x8193xf32, #tpu.memory_space<hbm>>
      %dma_wait3A_198 = tpu.memref_squeeze %dma_wait3A_197 : memref<1x8193xf32, #tpu.memory_space<hbm>> -> memref<8193xf32, #tpu.memory_space<hbm>>
      tpu.wait_dma2 semaphore(%arg15 : memref<!tpu.dma_semaphore, #tpu.memory_space<semaphore_mem>>) src(%dma_wait3A_198 : memref<8193xf32, #tpu.memory_space<hbm>>) dst(%dma_wait3A_195 : memref<8193xf32, #tpu.memory_space<vmem>>)
      %dma_wait3A_199 = arith.constant 0 : i32
      %dma_wait3A_200 = tpu.memref_slice %arg4[%add3A_71, %dma_wait3A_199] : memref<1024x16xf32, #tpu.memory_space<hbm>> -> memref<1x16xf32, #tpu.memory_space<hbm>>
      %dma_wait3A_201 = tpu.memref_squeeze %dma_wait3A_200 : memref<1x16xf32, #tpu.memory_space<hbm>> -> memref<16xf32, #tpu.memory_space<hbm>>
      %dma_wait3A_202 = arith.constant 0 : i32
      %dma_wait3A_203 = tpu.memref_slice %arg4[%add3A_71, %dma_wait3A_202] : memref<1024x16xf32, #tpu.memory_space<hbm>> -> memref<1x16xf32, #tpu.memory_space<hbm>>
      %dma_wait3A_204 = tpu.memref_squeeze %dma_wait3A_203 : memref<1x16xf32, #tpu.memory_space<hbm>> -> memref<16xf32, #tpu.memory_space<hbm>>
      tpu.wait_dma2 semaphore(%arg15 : memref<!tpu.dma_semaphore, #tpu.memory_space<semaphore_mem>>) src(%dma_wait3A_204 : memref<16xf32, #tpu.memory_space<hbm>>) dst(%arg11 : memref<16xf32, #tpu.memory_space<vmem>>)
      %mul3A_205 = arith.constant 2 : i32
      %mul3A_206 = arith.muli %mul3A_205, %scan3A_64 : i32
      %add3A_207 = arith.constant 1 : i32
      %add3A_208 = arith.addi %mul3A_206, %add3A_207 : i32
      %get3A_209 = arith.constant 0 : index
      %get3A_210 = tpu.vector_load %arg11[%get3A_209] {strides = array<i32>} : memref<16xf32, #tpu.memory_space<vmem>>, vector<16xf32>,
      %broadcast_in_dim3A_211 = arith.constant true
      %broadcast_in_dim3A_212 = vector.broadcast %broadcast_in_dim3A_211 : i1 to vector<16xi1>
      %masked_cumsum3A_213 = tpu.scan <sum>, %get3A_210 masked %broadcast_in_dim3A_212 : vector<16xf32>, vector<16xi1> -> vector<16xf32>
      %sub3A_214 = arith.subf %masked_cumsum3A_213, %get3A_210 : vector<16xf32>
      %reduce_sum3A_215 = arith.constant true
      %reduce_sum3A_216 = vector.broadcast %reduce_sum3A_215 : i1 to vector<16xi1>
      %reduce_sum3A_217 = tpu.scan <sum>, %get3A_210 masked %reduce_sum3A_216 : vector<16xf32>, vector<16xi1> -> vector<16xf32>
      %reduce_sum3A_218 = vector.extract %reduce_sum3A_217[15] : f32 from vector<16xf32>
      %broadcast_in_dim3A_219 = vector.broadcast %reduce_sum3A_218 : f32 to vector<16xf32>
      %broadcast_in_dim3A_220 = arith.constant 1.600000e+01 : f32
      %broadcast_in_dim3A_221 = vector.broadcast %broadcast_in_dim3A_220 : f32 to vector<16xf32>
      %div3A_222 = arith.divf %broadcast_in_dim3A_221, %broadcast_in_dim3A_219 : vector<16xf32>
      %swap3A_223 = arith.constant 0 : index
      %swap3A_224 = tpu.vector_load %arg12[%swap3A_223] {strides = array<i32>} : memref<32xf32, #tpu.memory_space<vmem>>, vector<16xf32>,
      tpu.vector_store %arg12[%swap3A_223], %broadcast_in_dim3A_3 {strides = array<i32>} : memref<32xf32, #tpu.memory_space<vmem>>, vector<16xf32>,
      %scan3A_225 = arith.constant 0 : i32
      %scan3A_226 = arith.constant 103 : i32
      %scan3A_227 = arith.addi %scan3A_225, %scan3A_226 : i32
      %scan3A_228 = arith.constant 1 : i32
      %scan3A_229:3 = scf.for %scan3A_270 = %scan3A_225 to %scan3A_227 step %scan3A_228 iter_args(%scan3A_271 = %sub3A_214, %scan3A_272 = %broadcast_in_dim3A_3, %scan3A_273 = %mul3A_6) -> (vector<16xf32>, vector<16xf32>, vector<16xi32>)  : i32 {
        %add3A_274 = arith.constant 0 : i32
        %add3A_275 = vector.broadcast %add3A_274 : i32 to vector<16xi32>
        %add3A_276 = arith.addi %scan3A_273, %add3A_275 : vector<16xi32>
        %gather3A = tpu.vector_load_idx %arg9[%add3A_276] : memref<8240xf32, #tpu.memory_space<vmem>>[vector<16xi32>], vector<16xf32>,
        %add3A_277 = arith.constant 1 : i32
        %add3A_278 = vector.broadcast %add3A_277 : i32 to vector<16xi32>
        %add3A_279 = arith.addi %scan3A_273, %add3A_278 : vector<16xi32>
        %gather3A_280 = tpu.vector_load_idx %arg9[%add3A_279] : memref<8240xf32, #tpu.memory_space<vmem>>[vector<16xi32>], vector<16xf32>,
        %add3A_281 = arith.constant 2 : i32
        %add3A_282 = vector.broadcast %add3A_281 : i32 to vector<16xi32>
        %add3A_283 = arith.addi %scan3A_273, %add3A_282 : vector<16xi32>
        %gather3A_284 = tpu.vector_load_idx %arg9[%add3A_283] : memref<8240xf32, #tpu.memory_space<vmem>>[vector<16xi32>], vector<16xf32>,
        %add3A_285 = arith.constant 3 : i32
        %add3A_286 = vector.broadcast %add3A_285 : i32 to vector<16xi32>
        %add3A_287 = arith.addi %scan3A_273, %add3A_286 : vector<16xi32>
        %gather3A_288 = tpu.vector_load_idx %arg9[%add3A_287] : memref<8240xf32, #tpu.memory_space<vmem>>[vector<16xi32>], vector<16xf32>,
        %add3A_289 = arith.constant 4 : i32
        %add3A_290 = vector.broadcast %add3A_289 : i32 to vector<16xi32>
        %add3A_291 = arith.addi %scan3A_273, %add3A_290 : vector<16xi32>
        %gather3A_292 = tpu.vector_load_idx %arg9[%add3A_291] : memref<8240xf32, #tpu.memory_space<vmem>>[vector<16xi32>], vector<16xf32>,
        %add3A_293 = arith.constant 0 : i32
        %add3A_294 = vector.broadcast %add3A_293 : i32 to vector<16xi32>
        %add3A_295 = arith.addi %scan3A_273, %add3A_294 : vector<16xi32>
        %gather3A_296 = tpu.vector_load_idx %arg10[%add3A_295] : memref<8240xf32, #tpu.memory_space<vmem>>[vector<16xi32>], vector<16xf32>,
        %add3A_297 = arith.constant 1 : i32
        %add3A_298 = vector.broadcast %add3A_297 : i32 to vector<16xi32>
        %add3A_299 = arith.addi %scan3A_273, %add3A_298 : vector<16xi32>
        %gather3A_300 = tpu.vector_load_idx %arg10[%add3A_299] : memref<8240xf32, #tpu.memory_space<vmem>>[vector<16xi32>], vector<16xf32>,
        %add3A_301 = arith.constant 2 : i32
        %add3A_302 = vector.broadcast %add3A_301 : i32 to vector<16xi32>
        %add3A_303 = arith.addi %scan3A_273, %add3A_302 : vector<16xi32>
        %gather3A_304 = tpu.vector_load_idx %arg10[%add3A_303] : memref<8240xf32, #tpu.memory_space<vmem>>[vector<16xi32>], vector<16xf32>,
        %add3A_305 = arith.constant 3 : i32
        %add3A_306 = vector.broadcast %add3A_305 : i32 to vector<16xi32>
        %add3A_307 = arith.addi %scan3A_273, %add3A_306 : vector<16xi32>
        %gather3A_308 = tpu.vector_load_idx %arg10[%add3A_307] : memref<8240xf32, #tpu.memory_space<vmem>>[vector<16xi32>], vector<16xf32>,
        %add3A_309 = arith.constant 4 : i32
        %add3A_310 = vector.broadcast %add3A_309 : i32 to vector<16xi32>
        %add3A_311 = arith.addi %scan3A_273, %add3A_310 : vector<16xi32>
        %gather3A_312 = tpu.vector_load_idx %arg10[%add3A_311] : memref<8240xf32, #tpu.memory_space<vmem>>[vector<16xi32>], vector<16xf32>,
        %mul3A_313 = arith.mulf %gather3A, %gather3A : vector<16xf32>
        %mul3A_314 = arith.mulf %gather3A_280, %gather3A_280 : vector<16xf32>
        %mul3A_315 = arith.mulf %gather3A_284, %gather3A_284 : vector<16xf32>
        %mul3A_316 = arith.mulf %gather3A_288, %gather3A_288 : vector<16xf32>
        %mul3A_317 = arith.mulf %gather3A_292, %gather3A_292 : vector<16xf32>
        %add3A_318 = arith.addf %mul3A_313, %mul3A_314 : vector<16xf32>
        %add3A_319 = arith.addf %mul3A_315, %mul3A_316 : vector<16xf32>
        %add3A_320 = arith.addf %add3A_318, %mul3A_315 : vector<16xf32>
        %add3A_321 = arith.addf %add3A_318, %add3A_319 : vector<16xf32>
        %mul3A_322 = arith.mulf %gather3A, %gather3A_296 : vector<16xf32>
        %mul3A_323 = arith.mulf %gather3A_280, %gather3A_300 : vector<16xf32>
        %mul3A_324 = arith.mulf %gather3A_284, %gather3A_304 : vector<16xf32>
        %mul3A_325 = arith.mulf %gather3A_288, %gather3A_308 : vector<16xf32>
        %mul3A_326 = arith.mulf %gather3A_292, %gather3A_312 : vector<16xf32>
        %mul3A_327 = arith.mulf %scan3A_271, %div3A_222 : vector<16xf32>
        %convert_element_type3A_328 = arith.fptosi %mul3A_327 : vector<16xf32> to vector<16xi32>
        %gt3A = arith.constant 0.000000e+00 : f32
        %gt3A_329 = vector.broadcast %gt3A : f32 to vector<16xf32>
        %gt3A_330 = arith.cmpf ogt, %mul3A_327, %gt3A_329 : vector<16xf32>
        tpu.vector_store_idx %arg12[%convert_element_type3A_328], %mul3A_322 masked %gt3A_330 {add = true} : memref<32xf32, #tpu.memory_space<vmem>>[vector<16xi32>], vector<16xf32>, vector<16xi1>
        %add3A_331 = arith.addf %scan3A_271, %mul3A_313 : vector<16xf32>
        %mul3A_332 = arith.mulf %add3A_331, %div3A_222 : vector<16xf32>
        %convert_element_type3A_333 = arith.fptosi %mul3A_332 : vector<16xf32> to vector<16xi32>
        %gt3A_334 = arith.constant 0.000000e+00 : f32
        %gt3A_335 = vector.broadcast %gt3A_334 : f32 to vector<16xf32>
        %gt3A_336 = arith.cmpf ogt, %mul3A_332, %gt3A_335 : vector<16xf32>
        tpu.vector_store_idx %arg12[%convert_element_type3A_333], %mul3A_323 masked %gt3A_336 {add = true} : memref<32xf32, #tpu.memory_space<vmem>>[vector<16xi32>], vector<16xf32>, vector<16xi1>
        %add3A_337 = arith.addf %scan3A_271, %add3A_318 : vector<16xf32>
        %mul3A_338 = arith.mulf %add3A_337, %div3A_222 : vector<16xf32>
        %convert_element_type3A_339 = arith.fptosi %mul3A_338 : vector<16xf32> to vector<16xi32>
        %gt3A_340 = arith.constant 0.000000e+00 : f32
        %gt3A_341 = vector.broadcast %gt3A_340 : f32 to vector<16xf32>
        %gt3A_342 = arith.cmpf ogt, %mul3A_338, %gt3A_341 : vector<16xf32>
        tpu.vector_store_idx %arg12[%convert_element_type3A_339], %mul3A_324 masked %gt3A_342 {add = true} : memref<32xf32, #tpu.memory_space<vmem>>[vector<16xi32>], vector<16xf32>, vector<16xi1>
        %add3A_343 = arith.addf %scan3A_271, %add3A_320 : vector<16xf32>
        %mul3A_344 = arith.mulf %add3A_343, %div3A_222 : vector<16xf32>
        %convert_element_type3A_345 = arith.fptosi %mul3A_344 : vector<16xf32> to vector<16xi32>
        %gt3A_346 = arith.constant 0.000000e+00 : f32
        %gt3A_347 = vector.broadcast %gt3A_346 : f32 to vector<16xf32>
        %gt3A_348 = arith.cmpf ogt, %mul3A_344, %gt3A_347 : vector<16xf32>
        tpu.vector_store_idx %arg12[%convert_element_type3A_345], %mul3A_325 masked %gt3A_348 {add = true} : memref<32xf32, #tpu.memory_space<vmem>>[vector<16xi32>], vector<16xf32>, vector<16xi1>
        %add3A_349 = arith.addf %scan3A_271, %add3A_321 : vector<16xf32>
        %mul3A_350 = arith.mulf %add3A_349, %div3A_222 : vector<16xf32>
        %convert_element_type3A_351 = arith.fptosi %mul3A_350 : vector<16xf32> to vector<16xi32>
        %gt3A_352 = arith.constant 0.000000e+00 : f32
        %gt3A_353 = vector.broadcast %gt3A_352 : f32 to vector<16xf32>
        %gt3A_354 = arith.cmpf ogt, %mul3A_350, %gt3A_353 : vector<16xf32>
        tpu.vector_store_idx %arg12[%convert_element_type3A_351], %mul3A_326 masked %gt3A_354 {add = true} : memref<32xf32, #tpu.memory_space<vmem>>[vector<16xi32>], vector<16xf32>, vector<16xi1>
        %add3A_355 = arith.addf %mul3A_322, %mul3A_323 : vector<16xf32>
        %add3A_356 = arith.addf %mul3A_324, %mul3A_325 : vector<16xf32>
        %add3A_357 = arith.addf %add3A_355, %add3A_356 : vector<16xf32>
        %add3A_358 = arith.addf %add3A_357, %mul3A_326 : vector<16xf32>
        %add3A_359 = arith.addf %scan3A_272, %add3A_358 : vector<16xf32>
        %add3A_360 = arith.addf %add3A_318, %add3A_319 : vector<16xf32>
        %add3A_361 = arith.addf %add3A_360, %mul3A_317 : vector<16xf32>
        %add3A_362 = arith.addf %scan3A_271, %add3A_361 : vector<16xf32>
        %add3A_363 = arith.constant 5 : i32
        %add3A_364 = vector.broadcast %add3A_363 : i32 to vector<16xi32>
        %add3A_365 = arith.addi %scan3A_273, %add3A_364 : vector<16xi32>
        scf.yield %add3A_362, %add3A_359, %add3A_365 : vector<16xf32>, vector<16xf32>, vector<16xi32>
      }
      %scan3A_230 = arith.constant 103 : i32
      %reduce_sum3A_231 = arith.constant true
      %reduce_sum3A_232 = vector.broadcast %reduce_sum3A_231 : i1 to vector<16xi1>
      %reduce_sum3A_233 = tpu.scan <sum>, %scan3A_229#1 masked %reduce_sum3A_232 : vector<16xf32>, vector<16xi1> -> vector<16xf32>
      %reduce_sum3A_234 = vector.extract %reduce_sum3A_233[15] : f32 from vector<16xf32>
      %broadcast_in_dim3A_235 = vector.broadcast %reduce_sum3A_234 : f32 to vector<16xf32>
      %get3A_236 = arith.constant 0 : index
      %get3A_237 = tpu.vector_load %arg12[%get3A_236] {strides = array<i32>} : memref<32xf32, #tpu.memory_space<vmem>>, vector<16xf32>,
      %mul3A_238 = arith.constant 6.250000e-02 : f32
      %mul3A_239 = vector.broadcast %mul3A_238 : f32 to vector<16xf32>
      %mul3A_240 = arith.mulf %broadcast_in_dim3A_235, %mul3A_239 : vector<16xf32>
      %sub3A_241 = arith.subf %get3A_237, %mul3A_240 : vector<16xf32>
      %mul3A_242 = arith.mulf %sub3A_241, %sub3A_241 : vector<16xf32>
      %reduce_sum3A_243 = arith.constant true
      %reduce_sum3A_244 = vector.broadcast %reduce_sum3A_243 : i1 to vector<16xi1>
      %reduce_sum3A_245 = tpu.scan <sum>, %mul3A_242 masked %reduce_sum3A_244 : vector<16xf32>, vector<16xi1> -> vector<16xf32>
      %reduce_sum3A_246 = vector.extract %reduce_sum3A_245[15] : f32 from vector<16xf32>
      %broadcast_in_dim3A_247 = vector.broadcast %reduce_sum3A_246 : f32 to vector<16xf32>
      %mul3A_248 = arith.mulf %broadcast_in_dim3A_247, %div3A_222 : vector<16xf32>
      %mul3A_249 = arith.constant 0.0333333351 : f32
      %mul3A_250 = vector.broadcast %mul3A_249 : f32 to vector<16xf32>
      %mul3A_251 = arith.mulf %mul3A_248, %mul3A_250 : vector<16xf32>
      %eq3A_252 = vector.broadcast %add3A_208 : i32 to vector<16xi32>
      %eq3A_253 = arith.cmpi eq, %iota3A, %eq3A_252 : vector<16xi32>
      %lt3A_254 = arith.constant 16 : i32
      %lt3A_255 = arith.cmpi slt, %add3A_208, %lt3A_254 : i32
      %and3A_256 = vector.broadcast %lt3A_255 : i1 to vector<16xi1>
      %and3A_257 = arith.andi %eq3A_253, %and3A_256 : vector<16xi1>
      %select_n3A_258 = arith.select %and3A_257, %mul3A_251, %broadcast_in_dim3A_3 : vector<16xi1>, vector<16xf32>
      %add3A_259 = arith.addf %add3A_166, %select_n3A_258 : vector<16xf32>
      %sub3A_260 = arith.constant 16 : i32
      %sub3A_261 = arith.subi %add3A_208, %sub3A_260 : i32
      %eq3A_262 = vector.broadcast %sub3A_261 : i32 to vector<16xi32>
      %eq3A_263 = arith.cmpi eq, %iota3A, %eq3A_262 : vector<16xi32>
      %ge3A_264 = arith.constant 16 : i32
      %ge3A_265 = arith.cmpi sge, %add3A_208, %ge3A_264 : i32
      %and3A_266 = vector.broadcast %ge3A_265 : i1 to vector<16xi1>
      %and3A_267 = arith.andi %eq3A_263, %and3A_266 : vector<16xi1>
      %select_n3A_268 = arith.select %and3A_267, %mul3A_251, %broadcast_in_dim3A_3 : vector<16xi1>, vector<16xf32>
      %add3A_269 = arith.addf %add3A_175, %select_n3A_268 : vector<16xf32>
      scf.yield %add3A_259, %add3A_269 : vector<16xf32>, vector<16xf32>
    }
    %scan3A_59 = arith.constant 16 : i32
    %swap3A_60 = arith.constant 0 : index
    %swap3A_61 = tpu.vector_load %arg13[%swap3A_60] {strides = array<i32>} : memref<32xf32, #tpu.memory_space<vmem>>, vector<16xf32>,
    tpu.vector_store %arg13[%swap3A_60], %scan3A_58#0 {strides = array<i32>} : memref<32xf32, #tpu.memory_space<vmem>>, vector<16xf32>,
    %swap3A_62 = arith.constant 16 : index
    %swap3A_63 = tpu.vector_load %arg13[%swap3A_62] {strides = array<i32>} : memref<32xf32, #tpu.memory_space<vmem>>, vector<16xf32>,
    tpu.vector_store %arg13[%swap3A_62], %scan3A_58#1 {strides = array<i32>} : memref<32xf32, #tpu.memory_space<vmem>>, vector<16xf32>,
    "tpu.region"() ({
      %run_scoped3A = tpu.sem_alloc : memref<!tpu.dma_semaphore, #tpu.memory_space<semaphore_mem>>
      %dma_start3A_64 = tpu.memref_slice %arg5[%mul3A_2] : memref<1024xf32, #tpu.memory_space<hbm>> -> memref<32xf32, #tpu.memory_space<hbm>>
      %dma_start3A_65 = tpu.memref_slice %arg5[%mul3A_2] : memref<1024xf32, #tpu.memory_space<hbm>> -> memref<32xf32, #tpu.memory_space<hbm>>
      tpu.enqueue_dma source(%arg13 : memref<32xf32, #tpu.memory_space<vmem>>) target(%dma_start3A_65 : memref<32xf32, #tpu.memory_space<hbm>>) target_semaphore(%run_scoped3A : memref<!tpu.dma_semaphore, #tpu.memory_space<semaphore_mem>>)
      %dma_wait3A = tpu.memref_slice %arg5[%mul3A_2] : memref<1024xf32, #tpu.memory_space<hbm>> -> memref<32xf32, #tpu.memory_space<hbm>>
      %dma_wait3A_66 = tpu.memref_slice %arg5[%mul3A_2] : memref<1024xf32, #tpu.memory_space<hbm>> -> memref<32xf32, #tpu.memory_space<hbm>>
      tpu.wait_dma2 semaphore(%run_scoped3A : memref<!tpu.dma_semaphore, #tpu.memory_space<semaphore_mem>>) src(%arg13 : memref<32xf32, #tpu.memory_space<vmem>>) dst(%dma_wait3A_66 : memref<32xf32, #tpu.memory_space<hbm>>)
      tpu.yield
    }) : () -> ()
    return
  }
}

module attributes {stable_mosaic.version = 14 : i64} {
  func.func @_tc_seg_body(%arg0: i32, %arg1: memref<64x8193xf32, #tpu.memory_space<vmem>>, %arg2: memref<64x16xf32, #tpu.memory_space<vmem>>) attributes {dimension_semantics = [#tpu.dimension_semantics<arbitrary>], iteration_bounds = array<i64: 16>, scalar_prefetch = 0 : i64, scratch_operands = 0 : i64, tpu.core_type = #tpu.core_type<tc>, window_params = [{transform_indices = @transform_0, window_bounds = array<i64: 64, 8193>}, {transform_indices = @transform_1, window_bounds = array<i64: 64, 16>}]} {
    %get3A = arith.constant 0 : index
    %get3A_0 = arith.constant 0 : index
    %get3A_1 = vector.load %arg1[%get3A, %get3A_0] : memref<64x8193xf32, #tpu.memory_space<vmem>>, vector<64x8193xf32>
    %mul3A = arith.mulf %get3A_1, %get3A_1 : vector<64x8193xf32>
    %iota3A = tpu.iota {dimensions = array<i32: 0>} : vector<8193x16xi32>
    %jit3A = arith.constant 515 : i32
    %div3A = vector.broadcast %jit3A : i32 to vector<8193x16xi32>
    %div3A_2 = arith.divsi %iota3A, %div3A : vector<8193x16xi32>
    %sign3A = arith.constant 0 : i32
    %sign3A_3 = vector.broadcast %sign3A : i32 to vector<8193x16xi32>
    %sign3A_4 = arith.cmpi sgt, %iota3A, %sign3A_3 : vector<8193x16xi32>
    %sign3A_5 = arith.extui %sign3A_4 : vector<8193x16xi1> to vector<8193x16xi32>
    %sign3A_6 = arith.constant 0 : i32
    %sign3A_7 = vector.broadcast %sign3A_6 : i32 to vector<8193x16xi32>
    %sign3A_8 = arith.cmpi slt, %iota3A, %sign3A_7 : vector<8193x16xi32>
    %sign3A_9 = arith.extui %sign3A_8 : vector<8193x16xi1> to vector<8193x16xi32>
    %sign3A_10 = arith.subi %sign3A_5, %sign3A_9 : vector<8193x16xi32>
    %sign3A_11 = arith.constant 0 : i32
    %sign3A_12 = arith.cmpi sgt, %jit3A, %sign3A_11 : i32
    %sign3A_13 = arith.extui %sign3A_12 : i1 to i32
    %sign3A_14 = arith.constant 0 : i32
    %sign3A_15 = arith.cmpi slt, %jit3A, %sign3A_14 : i32
    %sign3A_16 = arith.extui %sign3A_15 : i1 to i32
    %sign3A_17 = arith.subi %sign3A_13, %sign3A_16 : i32
    %ne3A = vector.broadcast %sign3A_17 : i32 to vector<8193x16xi32>
    %ne3A_18 = arith.cmpi ne, %sign3A_10, %ne3A : vector<8193x16xi32>
    %rem3A = vector.broadcast %jit3A : i32 to vector<8193x16xi32>
    %rem3A_19 = arith.remsi %iota3A, %rem3A : vector<8193x16xi32>
    %ne3A_20 = arith.constant 0 : i32
    %ne3A_21 = vector.broadcast %ne3A_20 : i32 to vector<8193x16xi32>
    %ne3A_22 = arith.cmpi ne, %rem3A_19, %ne3A_21 : vector<8193x16xi32>
    %and3A = arith.andi %ne3A_18, %ne3A_22 : vector<8193x16xi1>
    %sub3A = arith.constant 1 : i32
    %sub3A_23 = vector.broadcast %sub3A : i32 to vector<8193x16xi32>
    %sub3A_24 = arith.subi %div3A_2, %sub3A_23 : vector<8193x16xi32>
    %select_n3A = arith.select %and3A, %sub3A_24, %div3A_2 : vector<8193x16xi1>, vector<8193x16xi32>
    %iota3A_25 = tpu.iota {dimensions = array<i32: 1>} : vector<8193x16xi32>
    %eq3A = arith.cmpi eq, %select_n3A, %iota3A_25 : vector<8193x16xi32>
    %convert_element_type3A = arith.extui %eq3A : vector<8193x16xi1> to vector<8193x16xi32>
    %convert_element_type3A_26 = arith.sitofp %convert_element_type3A : vector<8193x16xi32> to vector<8193x16xf32>
    %dot_general3A = arith.constant dense<0.000000e+00> : vector<64x16xf32>
    %dot_general3A_27 = tpu.matmul %mul3A, %convert_element_type3A_26, %dot_general3A {dimension_numbers = #tpu.dot_dimension_numbers<[1], [0], [0], [1], [0, 0, 1, 1], [], []>, transpose_lhs_hint = false} : vector<64x8193xf32>, vector<8193x16xf32>, vector<64x16xf32> -> vector<64x16xf32>
    %swap3A = arith.constant 0 : index
    %swap3A_28 = arith.constant 0 : index
    %swap3A_29 = vector.load %arg2[%swap3A, %swap3A_28] : memref<64x16xf32, #tpu.memory_space<vmem>>, vector<64x16xf32>
    tpu.vector_store %arg2[%swap3A, %swap3A_28], %dot_general3A_27 {strides = array<i32>} : memref<64x16xf32, #tpu.memory_space<vmem>>, vector<64x16xf32>,
    return
  }
  func.func @transform_0(%arg0: i32) -> (i32, i32) {
    %c0_i32 = arith.constant 0 : i32
    %c0_i32_0 = arith.constant 0 : i32
    return %arg0, %c0_i32 : i32, i32
  }
  func.func @transform_1(%arg0: i32) -> (i32, i32) {
    %c0_i32 = arith.constant 0 : i32
    %c0_i32_0 = arith.constant 0 : i32
    return %arg0, %c0_i32 : i32, i32
  }
}

</mosaic_0001>

<sc_bundles>
// kernel: kernel.4.cloned.1.call-start
scs
__scs_entry_jumppad:
0x0: {  	(pc) =	sbr.rel $0x88, $3  }
0x1: {  	(tag) =	ssettag $0x0;
	lr =	simm.s32 $0x1  }
0x2: {  	[smem:$0x3F9F] =	sst lr;
	_ =	strace $0xD0000000  }
0x3: {  	_ = 	snop  }
0x4: {  	_ = 	snop  }
0x5: {  	_ = 	snop  }
0x6: {  	_ = 	snop  }
0x7: {  	_ = 	snop  }
__scs_overlays_trampoline_lowered:
0x8: {  	[smem:$0x3FAE] =	sst s0  }
0x9: {  	[smem:$0x3FAF] =	sst s1  }
0xa: {  	[smem:$0x3FB0] =	sst s2  }
0xb: {  	[smem:$0x3FB1] =	sst s3  }
0xc: {  	[smem:$0x3FB2] =	sst s4  }
0xd: {  	[smem:$0x3FB3] =	sst s5  }
0xe: {  	[smem:$0x3FB4] =	sst s6  }
0xf: {  	[smem:$0x3FB5] =	sst s7  }
0x10: {  	[smem:$0x3FB6] =	sst s8  }
0x11: {  	[smem:$0x3FB7] =	sst s9;
	s0 =	simm.s32 @!p0 $0x0  }
0x12: {  	s1 =	sld [smem:$0x3F9D];
	s0 =	simm.s32 @p0 $0x1  }
0x13: {  	[smem:$0x3FB8] =	sst s0;
	s0 =	simm.s32 @!p1 $0x0  }
0x14: {  	s2 =	sld [smem:$0x3F9C];
	s0 =	simm.s32 @p1 $0x1  }
0x15: {  	[smem:$0x3FB9] =	sst s0;
	s0 =	simm.s32 @!p2 $0x0  }
0x16: {  	s3 =	sld [smem:$0x3FDB];
	s0 =	simm.s32 @p2 $0x1  }
0x17: {  	s4 =	simm.s32 $0x1BF5;
	[smem:$0x3FBB] =	sst s0  }
0x18: {  	s0 =	sld [smem:$0x3F9E];
	_ =	swait.ge [sflag:s4], $0x0  }
0x19: {  	s7 =	sld [smem:$0x3F9F]  }
0x1a: {  	s8 =	sadd.s32 $0xFFFFE003, lr  }
0x1b: {  	s9 =	sadd.s32 $0xFFFFFEF7, lr;
	s5 =	simm.s32 $0xFFFFFFFF;
	p2 =	slt.u32 s8, $0xFFFFF086  }
0x1c: {  	p1 =	slt.u32 s9, $0xF7A;
	s5 =	simm.s32 @!p2 $0x0  }
0x1d: {  	s5 =	simm.s32 @p1 $0x1;
	p0 =	seq.s32 s7, s2  }
0x1e: {  	s7 =	smul.u32 @!p0 $0xF7A, s2;
	p2 =	seq.s32 @!p0 s5, $0x0  }
0x1f: {  	s9 =	smul.u32 $0xF7A, s1;
	s8 =	simm.s32 @!p0 $0x1BF5;
	p2 =	por !p2, p0  }
0x20: {  	[sflag:s8] =	ssyncset.s32 @!p0 $0xFFFFF086;
	s6 =	sadd.s32 @!p0 s3, s7;
	s7 =	simm.s32 @!p0 $0x108  }
0x21: {  	s3 =	sadd.s32 s3, s9;
	s6 =	sadd.s32 @!p0 $0x88, s6;
	s7 =	simm.s32 @p2 $0x1082  }
0x22: {  	[simem:s7], [sflag:s8] =	dma.local @!p0 [hbm:s6], $0xF7A  }
0x23: {  	s9 =	sor.u32 $0xD0000000, s2;
	s6 =	simm.s32 $0x108;
	_ =	swait.ge @!p0 [sflag:s8], $0x0  }
0x24: {  	s3 =	sadd.s32 $0x88, s3;
	s6 =	simm.s32 @!p1 $0x1082;
	[sflag:s4] =	ssyncset.s32 $0xFFFFF086  }
0x25: {  	[simem:s6], [sflag:s4] =	dma.local [hbm:s3], $0xF7A  }
0x26: {  	[smem:$0x3F9F] =	sst s1;
	(tag) =	ssettag s2;
	_ =	strace s9  }
0x27: {  	s1 =	sld [smem:$0x3FAF]  }
0x28: {  	s2 =	sld [smem:$0x3FB0]  }
0x29: {  	s4 =	sld [smem:$0x3FB2]  }
0x2a: {  	p0 =	seq.s32 s5, $0x0;
	s5 =	sld [smem:$0x3FB3]  }
0x2b: {  	s6 =	sld [smem:$0x3FB4]  }
0x2c: {  	s7 =	sld [smem:$0x3FB5]  }
0x2d: {  	s3 =	simm.s32 $0x108;
	s8 =	sld [smem:$0x3FB6]  }
0x2e: {  	s3 =	simm.s32 @!p0 $0x1082;
	s9 =	sld [smem:$0x3FB7]  }
0x2f: {  	lr =	sadd.s32 s0, s3;
	s0 =	sld [smem:$0x3FAE]  }
0x30: {  	s3 =	sld [smem:$0x3FB1]  }
0x31: {  	[smem:$0x3FBA] =	sst s10  }
0x32: {  	s10 =	sld [smem:$0x3FB8];
	_ =	sdelay $0x3  }
0x33: {  	p0 =	seq.s32 s10, $0x1;
	s10 =	sld [smem:$0x3FBA];
	_ =	sdelay $0x3  }
0x34: {  	[smem:$0x3FBA] =	sst s10  }
0x35: {  	s10 =	sld [smem:$0x3FB9];
	_ =	sdelay $0x3  }
0x36: {  	p1 =	seq.s32 s10, $0x1;
	s10 =	sld [smem:$0x3FBA];
	_ =	sdelay $0x3  }
0x37: {  	[smem:$0x3FBA] =	sst s10  }
0x38: {  	s10 =	sld [smem:$0x3FBB]  }
0x39: {  	_ = 	snop;
	(pc) =	sbr.ind lr, $3  }
0x3a: {  	_ = 	snop  }
0x3b: {  	_ = 	snop  }
0x3c: {  	p2 =	seq.s32 s10, $0x1;
	s10 =	sld [smem:$0x3FBA]  }
0x3d: {  	_ =	shalt  }
0x3e: {  	_ =	shalt  }
0x3f: {  	_ =	shalt  }
0x40: {  	_ =	shalt  }
0x41: {  	_ =	shalt  }
0x42: {  	_ =	shalt  }
0x43: {  	_ =	shalt  }
0x44: {  	_ =	shalt  }
0x45: {  	_ =	shalt  }
0x46: {  	_ =	shalt  }
0x47: {  	_ =	shalt  }
0x48: {  	_ =	shalt  }
0x49: {  	_ =	shalt  }
0x4a: {  	_ =	shalt  }
0x4b: {  	_ =	shalt  }
0x4c: {  	_ =	shalt  }
0x4d: {  	_ =	shalt  }
0x4e: {  	_ =	shalt  }
0x4f: {  	_ =	shalt  }
0x50: {  	_ =	shalt  }
0x51: {  	_ =	shalt  }
0x52: {  	_ =	shalt  }
0x53: {  	_ =	shalt  }
0x54: {  	_ =	shalt  }
0x55: {  	_ =	shalt  }
0x56: {  	_ =	shalt  }
0x57: {  	_ =	shalt  }
0x58: {  	_ =	shalt  }
0x59: {  	_ =	shalt  }
0x5a: {  	_ =	shalt  }
0x5b: {  	_ =	shalt  }
0x5c: {  	_ =	shalt  }
0x5d: {  	_ =	shalt  }
0x5e: {  	_ =	shalt  }
0x5f: {  	_ =	shalt  }
0x60: {  	_ =	shalt  }
0x61: {  	_ =	shalt  }
0x62: {  	_ =	shalt  }
0x63: {  	_ =	shalt  }
0x64: {  	_ =	shalt  }
0x65: {  	_ =	shalt  }
0x66: {  	_ =	shalt  }
0x67: {  	_ =	shalt  }
0x68: {  	_ =	shalt  }
0x69: {  	_ =	shalt  }
0x6a: {  	_ =	shalt  }
0x6b: {  	_ =	shalt  }
0x6c: {  	_ =	shalt  }
0x6d: {  	_ =	shalt  }
0x6e: {  	_ =	shalt  }
0x6f: {  	_ =	shalt  }
0x70: {  	_ =	shalt  }
0x71: {  	_ =	shalt  }
0x72: {  	_ =	shalt  }
0x73: {  	_ =	shalt  }
0x74: {  	_ =	shalt  }
0x75: {  	_ =	shalt  }
0x76: {  	_ =	shalt  }
0x77: {  	_ =	shalt  }
0x78: {  	_ =	shalt  }
0x79: {  	_ =	shalt  }
0x7a: {  	_ =	shalt  }
0x7b: {  	_ =	shalt  }
0x7c: {  	_ =	shalt  }
0x7d: {  	_ =	shalt  }
0x7e: {  	_ =	shalt  }
0x7f: {  	_ =	shalt  }
0x80: {  	_ =	shalt  }
0x81: {  	_ =	shalt  }
0x82: {  	_ =	shalt  }
0x83: {  	_ =	shalt  }
0x84: {  	_ =	shalt  }
0x85: {  	_ =	shalt  }
0x86: {  	_ =	shalt  }
0x87: {  	_ =	shalt  }
.Lfunc_end0:
.L_simem_size_0:
called_computation_lowered:
.L_overlay_start_0:
0x88: {  	s2 =	sld [smem:$0x3FD9]  }
0x89: {  	s3 =	sld [smem:$0x3FFE];
	_ =	sdelay $0x1  }
0x8a: {  	s1 =	srdreg.scid  }
0x8b: {  	s0 =	sand.u32 $0x1, s1  }
0x8c: {  	s17 =	sshll.u32 s0, $0xA;
	s2 =	sadd.s32 s3, s2  }
0x8d: {  	s2 =	sadd.s32 s2, s17  }
0x8e: {  	[smem:$0x3FC6] =	sst s2  }
0x8f: {  	_ = 	snop  }
0x90: {  	s2 =	sld [smem:$0x3FD0];
	(tm) =	ssettm $0x1  }
0x91: {  	s18 =	sld [smem:$0x3FFB];
	_ =	sdelay $0x3  }
0x92: {  	_ =	strace s18  }
0x93: {  	s3 =	sld [smem:$0x3FFC];
	_ =	sdelay $0x3  }
0x94: {  	_ =	strace s3  }
0x95: {  	s3 =	sld [smem:$0x3FFD];
	_ =	sdelay $0x3  }
0x96: {  	_ =	strace s3  }
0x97: {  	_ =	strace $0x8FFFFFFF  }
0x98: {  	s19 =	sld [smem:$0x3FDB];
	_ =	sdelay $0x1  }
0x99: {  	s4 =	simm.s32 $_scs_section_size  }
0x9a: {  	s5 =	simm.s32 $_size__tile_overlayer_lowered;
	s6 =	simm.s32 $_tile_overlayer_lowered  }
0x9b: {  	s22 =	simm.s32 $0x1BFF;
	s21 =	sshll.u32 s6, $0x1;
	s3 =	sadd.s32 s4, s19  }
0x9c: {  	s7 =	simm.s32 $0x0;
	s20 =	sshll.u32 s5, $0x1;
	s5 =	sadd.s32 s21, s3  }
0x9d: {  	[timem:s7], [sflag:s22] =	dma.local [hbm:s5], s20  }
0x9e: {  	_ =	swait.ge [sflag:s22], s20  }
0x9f: {  	s4 =	ssub.s32 $0x0, s20;
	[sflag:s22] =	ssyncset.done $0x0  }
0xa0: {  	[sflag:s22] =	ssyncadd.s32 s4;
	_ =	sdelay $0x1  }
0xa1: {  	s23 =	simm.s32 $0x1B8B  }
0xa2: {  	_ =	swait.ge [sflag:s23], $0x1  }
0xa3: {  	[sflag:s23] =	ssyncset.done $0x0  }
0xa4: {  	s25 =	simm.s32 $0x1B8E;
	s24 =	sld [smem:$0x3FFE];
	[sflag:s23] =	ssyncadd.s32 $0xFFFFFFFF  }
0xa5: {  	s26 =	simm.s32 $execute0_lowered;
	[smem:$0x3FD2] =	sst s25  }
0xa6: {  	s5 =	sshll.u32 s26, $0x1;
	_ =	strace $0x80000046;
	[dreg:$0x1] =	wrdreg $0xFFFFFFFF  }
0xa7: {  	s28 =	simm.s32 $_size_execute0_lowered;
	s3 =	sadd.s32 s3, s5;
	[dreg:$0x0] =	wrdreg $0x0  }
0xa8: {  	s5 =	sshll.u32 s28, $0x1;
	[dreg:$0x2] =	wrdreg s3  }
0xa9: {  	[dreg:$0x3] =	wrdreg s5  }
0xaa: {  	[dreg:$0x4] =	wrdreg $0xC0  }
0xab: {  	_ =	task [dreg:s7], $0x5FFFF  }
0xac: {  	[dreg:$0x1] =	wrdreg $0xFFFFFFFF  }
0xad: {  	[dreg:$0x0] =	wrdreg $0x60  }
0xae: {  	[dreg:$0x2] =	wrdreg s24  }
0xaf: {  	[dreg:$0x3] =	wrdreg s2  }
0xb0: {  	[dreg:$0x4] =	wrdreg $0x9  }
0xb1: {  	_ =	task.clear_ibuf [dreg:s7], $0x5FFFF;
	_ =	strace $0x90000046  }
0xb2: {  	s29 =	simm.s32 $0x9;
	_ =	strace $0x80000048  }
0xb3: {  	_ =	swait.ge [sflag:s29], $0x1  }
0xb4: {  	[sflag:s29] =	ssyncadd.s32 $0xFFFFFFFF  }
0xb5: {  	_ =	strace $0x90000048  }
0xb6: {  	_ =	sfence  }
0xb7: {  	s30 =	sld [smem:$0x0];
	_ =	sdelay $0x2  }
0xb8: {  	s31 =	sshll.u32 s1, $0xD;
	s1 =	sshrl.u32 s1, $0x2  }
0xb9: {  	s3 =	sand.u32 $0x4000, s31;
	s1 =	sadd.s32 s1, s30  }
0xba: {  	s0 =	sor.u32 s3, s0;
	s1 =	sshll.u32 s1, $0x11  }
0xbb: {  	s0 =	sor.u32 s1, s0  }
0xbc: {  	s0 =	sadd.s32 $0x8F2B, s0  }
0xbd: {  	[sflag:s0] =	ssyncadd.remote.s32 $0x1  }
0xbe: {  	_ =	sfence.sel $0xFFFF  }
0xbf: {  	[dreg:$0x0] =	wrdreg $0xFFFFFFFF;
	(pc) =	sbr.abs _section_cstart, $3  }
0xc0: {  	[dreg:$0x1] =	wrdreg $0xFFFFFFFF  }
0xc1: {  	_ =	task.clear_ibuf [dreg:s7], $0x2FFFF;
	_ =	strace $0x9FFFFFFF  }
0xc2: {  	(tm) =	ssettm $0x7FFFFFFF  }
0xc3: {  	_ =	shalt  }
tec
execute0_lowered:
.L_overlay_start_1:
0x0: {  	(tag) =	ssettag $0x1  }
0x1: {  	s6 =	rddreg [dreg:$0x0]  }
0x2: {  	s10 =	rddreg [dreg:$0x1]  }
0x3: {  	s0 =	rddreg [dreg:$0x2];
	s3 =	srdreg.scid  }
0x4: {  	s2 =	simm.s32 $0x0;
	s1 =	stileid.u32;
	s14 =	simm.s32 $0x4070  }
0x5: {  	s15 =	simm.s32 $0x60A0;
	s16 =	simm.s32 $0x80D0;
	s17 =	simm.s32 $0x1  }
0x6: {  	s18 =	simm.s32 $0x80E0;
	s19 =	simm.s32 $0x2;
	s20 =	simm.s32 $0x8100  }
0x7: {  	s21 =	simm.s32 $0x3;
	s22 =	simm.s32 $0x0;
	s3 =	sand.u32 $0x1, s3  }
0x8: {  	[smem:$0x7FF] =	sst s2;
	s4 =	sshll.u32 s1, $0x6;
	s5 =	sshll.u32 s3, $0x5  }
0x9: {  	_ =	strace $0x80000047;
	s7 =	ssub.s32 $0x2, s3;
	s3 =	sor.u32 s5, s4  }
0xa: {  	s4 =	sadd.s32 $0xC00, s6;
	s8 =	sshrl.u32 s7, $0x1;
	s5 =	sadd.s32 $0x205000, s6  }
0xb: {  	s6 =	sadd.s32 $0x400, s6;
	s9 =	smul.u32 $0x401, s3;
	s13 =	sshrl.u32 s3, $0x3  }
0xc: {  	s11 =	ssub.s32 s7, s8;
	s12 =	sshll.u32 s3, $0x1;
	s10 =	sadd.s32 s10, s13  }
0xd: {  	v0 =	vlaneseq.u32;
	s11 =	smax.u32 s11, $0x1;
	s13 =	simm.s32 $0x4060;
	s7 =	sadd.s32 s4, s9  }
0xe: {  	vm0 =	vmxor vm0, vm0;
	v2 =	vimm.f32 $0.0e+00;
	v1 =	vmul.u32 $0x203, v0;
	s8 =	sadd.s32 s5, s9;
	s9 =	sadd.s32 s6, s12;
	s12 =	simm.s32 $0x2030  }
.LBB2_1:
0xf: {  	[tilespmem:$0x2000] =	vst v2  }
0x10: {  	[tilespmem:$0x2010] =	vst v2  }
0x11: {  	[tilespmem:$0x2020] =	vst v2  }
0x12: {  	[tilespmem:$0x4030] =	vst v2  }
0x13: {  	[tilespmem:$0x4040] =	vst v2  }
0x14: {  	[tilespmem:$0x4050] =	vst v2  }
0x15: {  	[tilespmem:$0x6070] =	vst v2  }
0x16: {  	[tilespmem:$0x6080] =	vst v2  }
0x17: {  	[tilespmem:$0x6090] =	vst v2  }
0x18: {  	[tilespmem:$0x80A0] =	vst v2  }
0x19: {  	[tilespmem:$0x80B0] =	vst v2  }
0x1a: {  	[tilespmem:$0x80C0] =	vst v2  }
0x1b: {  	[tilespmem:s2], [sflag:$0x1] =	stream.linear.gather [hbm4b:s7+s2], $0x2001, $0x38;
	[tilespmem:$0x8120] =	vst v63  }
0x1c: {  	_ = 	snop  }
0x1d: {  	[tilespmem:s12], [sflag:$0x1] =	stream.linear.gather [hbm4b:s8+s2], $0x2001, $0x38;
	[tilespmem:$0x8120] =	vst v63  }
0x1e: {  	s23 =	simm.s32 $0x0  }
0x1f: {  	v3 =	vimm.f32 $0.0e+00;
	v5 =	vimm.f32 $0.0e+00;
	[tilespmem:s13], [sflag:$0x1] =	stream.linear.gather [hbm4b:s9+s2], $0x10, $0x38;
	[tilespmem:$0x8120] =	vst v63  }
.LBB2_2:
0x20: {  	s24 =	sshll.u32 s23, $0x1  }
0x21: {  	s25 =	sor.u32 s3, s24  }
0x22: {  	s26 =	sor.u32 $0x1, s25  }
0x23: {  	s28 =	smul.u32 $0x401, s26;
	_ =	sdelay $0x1  }
0x24: {  	s26 =	sshll.u32 s26, $0x1;
	s29 =	sadd.s32 s4, s28  }
0x25: {  	[tilespmem:s14], [sflag:$0x2] =	stream.linear.gather [hbm4b:s29+s2], $0x2001, $0x38;
	[tilespmem:$0x8120] =	vst v63  }
0x26: {  	s26 =	sand.u32 $0x1FFFFFFE, s26;
	s28 =	sadd.s32 s5, s28  }
0x27: {  	[tilespmem:s15], [sflag:$0x2] =	stream.linear.gather [hbm4b:s28+s2], $0x2001, $0x38;
	[tilespmem:$0x8120] =	vst v63  }
0x28: {  	s26 =	sadd.s32 s6, s26  }
0x29: {  	[tilespmem:s16], [sflag:$0x2] =	stream.linear.gather [hbm4b:s26+s2], $0x10, $0x38;
	[tilespmem:$0x8120] =	vst v63  }
0x2a: {  	_ =	swait.ge [sflag:s17], $0x2001  }
0x2b: {  	[sflag:s17] =	ssyncset.done $0x0  }
0x2c: {  	[sflag:s17] =	ssyncadd.s32 $0xFFFFDFFF  }
0x2d: {  	_ =	swait.ge [sflag:s17], $0x2001  }
0x2e: {  	[sflag:s17] =	ssyncset.done $0x0  }
0x2f: {  	[sflag:s17] =	ssyncadd.s32 $0xFFFFDFFF  }
0x30: {  	_ =	swait.ge [sflag:s17], $0x10  }
0x31: {  	[sflag:s17] =	ssyncset.done $0x0  }
0x32: {  	[sflag:s17] =	ssyncadd.s32 $0xFFFFFFF0  }
0x33: {  	v9 =	vld [tilespmem:$0x4060];
	_ =	sdelay $0x4  }
0x34: {  	(xrf2) =	vadd.scan.msk.f32 $0xffff, v9;
	_ =	sdelay $0x9  }
0x35: {  	v10, _, _ =	vpop (xrf2)  }
0x36: {  	v4 =	vbroadcast v10, $0xF;
	_ =	sdelay $0x1  }
0x37: {  	v6 =	vadd.s32 $0x1, v1;
	(erf) = vrcp.f32 v4  }
0x38: {  	v7 =	vadd.s32 $0x2, v1  }
0x39: {  	v8 =	vadd.s32 $0x3, v1  }
0x3a: {  	[tilespmem:$0x80E0] =	vst v2  }
0x3b: {  	v13 =	vld.idx.msk [tilespmem:v1+s2+$0x0], $0xffff  }
0x3c: {  	v15 =	vld.idx.msk [tilespmem:v6+s2+$0x0], $0xffff  }
0x3d: {  	v14 =	vld.idx.msk [tilespmem:v7+s2+$0x0], $0xffff;
	v4 =	vadd.s32 $0x4, v1  }
0x3e: {  	v16 =	vld.idx.msk [tilespmem:v8+s2+$0x0], $0xffff  }
0x3f: {  	v18 =	vld.idx.msk [tilespmem:v8+s12+$0x0], $0xffff  }
0x40: {  	v11 =	vpop (erf)  }
0x41: {  	v19 =	vmul.f32 v15, v15;
	v10 =	vsub.f32 v10, v9;
	v9 =	vmul.f32 $1.600000000e+01, v11  }
0x42: {  	v20 =	vmul.f32 v14, v14;
	v12 =	vld.idx.msk [tilespmem:v4+s2+$0x0], $0xffff;
	v11 =	vmul.f32 v13, v13  }
0x43: {  	v21 =	vmul.f32 v16, v16;
	v17 =	vmul.f32 v10, v9  }
0x44: {  	v23 =	vld.idx.msk [tilespmem:v7+s12+$0x0], $0xffff;
	v16 =	vmul.f32 v18, v16;
	v19 =	vadd.f32 v19, v11;
	v24 =	vadd.f32 v11, v10  }
0x45: {  	v11 =	vadd.s32 $0x5, v1;
	v22 =	vtrunc.f32 v17;
	vm3 =	vgt.f32 v17, $0.0e+00  }
0x46: {  	v25 =	vld.idx.msk [tilespmem:v1+s12+$0x0], $0xffff;
	v17 =	vadd.f32 v21, v20;
	v18 =	vmul.f32 v24, v9;
	v24 =	vadd.f32 v19, v10  }
0x47: {  	v21 =	vld.idx.msk [tilespmem:v6+s12+$0x0], $0xffff;
	v20 =	vadd.f32 v20, v19;
	v26 =	vcvt.f32.s32 v22;
	v22 =	vmul.f32 v12, v12  }
0x48: {  	v19 =	vadd.f32 v17, v19;
	v27 =	vtrunc.f32 v18;
	v24 =	vmul.f32 v24, v9  }
0x49: {  	v17 =	vmul.f32 v23, v14;
	v14 =	vadd.f32 v20, v10;
	vm1 =	vgt.f32 v18, $0.0e+00  }
0x4a: {  	v20 =	vcvt.f32.s32 v27;
	v23 =	vadd.f32 v19, v10;
	v27 =	vtrunc.f32 v24  }
0x4b: {  	v14 =	vmul.f32 v14, v9;
	v19 =	vadd.f32 v19, v22;
	v22 =	vmul.f32 v25, v13  }
0x4c: {  	vm2 =	vgt.f32 v24, $0.0e+00;
	v18 =	vmul.f32 v21, v15;
	v21 =	vcvt.f32.s32 v27  }
0x4d: {  	v15 =	vmul.f32 v23, v9;
	v23 =	vtrunc.f32 v14;
	v10 =	vadd.f32 v19, v10  }
0x4e: {  	v25 =	vld.idx.msk [tilespmem:v4+s12+$0x0], $0xffff;
	vm5 =	vgt.f32 v14, $0.0e+00;
	v19 =	vadd.s32 $0x1, v11;
	v24 =	vcvt.f32.s32 v23  }
0x4f: {  	v23 =	vadd.f32 v16, v17;
	v13 =	vtrunc.f32 v15;
	vm4 =	vgt.f32 v15, $0.0e+00  }
0x50: {  	s26 =	simm.s32 $0x65;
	[tilespmem:v26+s18+$0x0] =	vst.idx.add.f32.msk vm3, v22;
	v15 =	vmul.f32 v10, v9;
	v14 =	vmovc v11;
	v26 =	vcvt.f32.s32 v13;
	v13 =	vimm.f32 $0.0e+00  }
.LBB2_3:
0x51: {  	p0 =	sne.s32 s26, $0x1;
	s26 =	sadd.s32 $0xFFFFFFFF, s26;
	v22 =	vadd.f32 v18, v22  }
0x52: {  	v27 =	vtrunc.f32 v15;
	[tilespmem:v20+s18+$0x0] =	vst.idx.add.f32.msk vm1, v18  }
0x53: {  	v18 =	vadd.s32 $0x2, v11;
	v12 =	vmul.f32 v25, v12;
	[tilespmem:v21+s18+$0x0] =	vst.idx.add.f32.msk vm2, v17;
	v17 =	vadd.f32 v23, v22  }
0x54: {  	[tilespmem:v24+s18+$0x0] =	vst.idx.add.f32.msk vm5, v16  }
0x55: {  	v16 =	vadd.s32 $0x3, v11;
	v17 =	vadd.f32 v17, v12  }
0x56: {  	[tilespmem:v26+s18+$0x0] =	vst.idx.add.f32.msk vm4, v12  }
0x57: {  	v22 =	vld.idx.msk [tilespmem:v11+s2+$0x0], $0xffff;
	v13 =	vadd.f32 v17, v13  }
0x58: {  	v23 =	vadd.s32 $0x4, v11;
	v17 =	vld.idx.msk [tilespmem:v18+s2+$0x0], $0xffff  }
0x59: {  	v21 =	vld.idx.msk [tilespmem:v19+s2+$0x0], $0xffff  }
0x5a: {  	v20 =	vld.idx.msk [tilespmem:v16+s2+$0x0], $0xffff;
	_ =	sdelay $0x1  }
0x5b: {  	v16 =	vld.idx.msk [tilespmem:v16+s12+$0x0], $0xffff  }
0x5c: {  	v12 =	vld.idx.msk [tilespmem:v23+s2+$0x0], $0xffff  }
0x5d: {  	v18 =	vld.idx.msk [tilespmem:v18+s12+$0x0], $0xffff  }
0x5e: {  	v24 =	vmul.f32 v22, v22;
	v25 =	vmul.f32 v21, v21;
	v19 =	vld.idx.msk [tilespmem:v19+s12+$0x0], $0xffff  }
0x5f: {  	v11 =	vadd.s32 $0x5, v11;
	v26 =	vmul.f32 v17, v17;
	v28 =	vmul.f32 v20, v20  }
0x60: {  	vm3 =	vgt.f32 v15, $0.0e+00;
	v15 =	vadd.f32 v24, v10;
	v25 =	vadd.f32 v25, v24  }
0x61: {  	v27 =	vcvt.f32.s32 v27;
	v24 =	vadd.f32 v28, v26;
	v16 =	vmul.f32 v16, v20  }
0x62: {  	v15 =	vmul.f32 v15, v9;
	v20 =	vadd.f32 v26, v25;
	v26 =	vadd.f32 v25, v10;
	v28 =	vld.idx.msk [tilespmem:v14+s12+$0x0], $0xffff  }
0x63: {  	v29 =	vmul.f32 v12, v12;
	v24 =	vadd.f32 v24, v25;
	v17 =	vmul.f32 v18, v17;
	v14 =	vmovc v11  }
0x64: {  	v18 =	vtrunc.f32 v15;
	v25 =	vmul.f32 v26, v9;
	v26 =	vadd.f32 v20, v10  }
0x65: {  	vm1 =	vgt.f32 v15, $0.0e+00;
	v20 =	vcvt.f32.s32 v18;
	v15 =	vadd.f32 v24, v10  }
0x66: {  	v24 =	vadd.f32 v24, v29;
	v30 =	vtrunc.f32 v25;
	v26 =	vmul.f32 v26, v9  }
.Ltmp0:
0x67: {  	v18 =	vmul.f32 v19, v21;
	vm2 =	vgt.f32 v25, $0.0e+00;
	v21 =	vcvt.f32.s32 v30;
	(pc) =	sbr.rel @p0 .LBB2_3-.Ltmp0, $4  }
0x68: {  	v15 =	vmul.f32 v15, v9;
	v10 =	vadd.f32 v24, v10;
	v19 =	vtrunc.f32 v26;
	v25 =	vld.idx.msk [tilespmem:v23+s12+$0x0], $0xffff  }
0x69: {  	v22 =	vmul.f32 v28, v22;
	vm5 =	vgt.f32 v26, $0.0e+00;
	v24 =	vcvt.f32.s32 v19  }
0x6a: {  	v26 =	vtrunc.f32 v15;
	vm4 =	vgt.f32 v15, $0.0e+00;
	v23 =	vadd.f32 v16, v17  }
0x6b: {  	v19 =	vadd.s32 $0x1, v11;
	v15 =	vmul.f32 v10, v9;
	v26 =	vcvt.f32.s32 v26;
	[tilespmem:v27+s18+$0x0] =	vst.idx.add.f32.msk vm3, v22  }
0x6c: {  	_ =	sdelay $0x4  }
0x6d: {  	[tilespmem:v20+s18+$0x0] =	vst.idx.add.f32.msk vm1, v18  }
0x6e: {  	v12 =	vmul.f32 v25, v12;
	[tilespmem:v21+s18+$0x0] =	vst.idx.add.f32.msk vm2, v17  }
0x6f: {  	[tilespmem:v24+s18+$0x0] =	vst.idx.add.f32.msk vm5, v16  }
0x70: {  	v20 =	vadd.s32 $0x2, v11;
	[tilespmem:v26+s18+$0x0] =	vst.idx.add.f32.msk vm4, v12  }
0x71: {  	v17 =	vld.idx.msk [tilespmem:v11+s2+$0x0], $0xffff  }
0x72: {  	v16 =	vadd.s32 $0x3, v11;
	v24 =	vld.idx.msk [tilespmem:v19+s2+$0x0], $0xffff  }
0x73: {  	v19 =	vld.idx.msk [tilespmem:v19+s12+$0x0], $0xffff  }
0x74: {  	v14 =	vld.idx.msk [tilespmem:v14+s12+$0x0], $0xffff  }
0x75: {  	v21 =	vld.idx.msk [tilespmem:v20+s2+$0x0], $0xffff  }
0x76: {  	v11 =	vadd.s32 $0x4, v11;
	v20 =	vld.idx.msk [tilespmem:v20+s12+$0x0], $0xffff  }
0x77: {  	v58 =	vld.idx.msk [tilespmem:v16+s2+$0x0], $0xffff  }
0x78: {  	v18 =	vadd.f32 v18, v22;
	v16 =	vld.idx.msk [tilespmem:v16+s12+$0x0], $0xffff;
	_ =	sdelay $0x1  }
0x79: {  	v18 =	vadd.f32 v23, v18  }
0x7a: {  	v22 =	vld.idx.msk [tilespmem:v11+s2+$0x0], $0xffff;
	v23 =	vmul.f32 v17, v17  }
0x7b: {  	v12 =	vadd.f32 v18, v12;
	v11 =	vld.idx.msk [tilespmem:v11+s12+$0x0], $0xffff;
	v19 =	vmul.f32 v19, v24;
	v14 =	vmul.f32 v14, v17  }
0x7c: {  	v18 =	vmul.f32 v20, v21;
	v16 =	vmul.f32 v16, v58  }
0x7d: {  	v12 =	vadd.f32 v12, v13;
	v13 =	vmul.f32 v24, v24;
	v17 =	vmul.f32 v21, v21  }
0x7e: {  	v59 =	vadd.f32 v19, v14;
	v20 =	vmul.f32 v58, v58;
	v21 =	vadd.f32 v16, v18  }
0x7f: {  	v13 =	vadd.f32 v13, v23;
	v23 =	vadd.f32 v23, v10  }
0x80: {  	v20 =	vadd.f32 v20, v17;
	v11 =	vmul.f32 v11, v22;
	v21 =	vadd.f32 v21, v59  }
0x81: {  	v17 =	vadd.f32 v17, v13;
	v22 =	vmul.f32 v23, v9;
	v23 =	vadd.f32 v13, v10  }
0x82: {  	v60 =	vtrunc.f32 v15;
	v13 =	vadd.f32 v20, v13;
	v20 =	vadd.f32 v21, v11  }
0x83: {  	v61 =	vtrunc.f32 v22;
	v17 =	vadd.f32 v17, v10;
	v23 =	vmul.f32 v23, v9  }
0x84: {  	v21 =	vcvt.f32.s32 v60;
	v10 =	vadd.f32 v13, v10;
	v12 =	vadd.f32 v20, v12  }
0x85: {  	vm1 =	vgt.f32 v15, $0.0e+00;
	v13 =	vcvt.f32.s32 v61;
	v15 =	vmul.f32 v17, v9  }
0x86: {  	vm2 =	vgt.f32 v22, $0.0e+00;
	v17 =	vtrunc.f32 v23;
	v10 =	vmul.f32 v10, v9;
	(xrf2) =	vadd.scan.msk.f32 $0xffff, v12  }
0x87: {  	vm3 =	vgt.f32 v23, $0.0e+00;
	v12 =	vcvt.f32.s32 v17;
	v17 =	vtrunc.f32 v15  }
0x88: {  	vm4 =	vgt.f32 v15, $0.0e+00;
	v15 =	vtrunc.f32 v10;
	v17 =	vcvt.f32.s32 v17  }
0x89: {  	vm5 =	vgt.f32 v10, $0.0e+00;
	v10 =	vcvt.f32.s32 v15;
	_ =	sdelay $0x1  }
0x8a: {  	[tilespmem:v21+s18+$0x0] =	vst.idx.add.f32.msk vm1, v14  }
0x8b: {  	[tilespmem:v13+s18+$0x0] =	vst.idx.add.f32.msk vm2, v19  }
0x8c: {  	[tilespmem:v12+s18+$0x0] =	vst.idx.add.f32.msk vm3, v18  }
0x8d: {  	[tilespmem:v17+s18+$0x0] =	vst.idx.add.f32.msk vm4, v16  }
0x8e: {  	[tilespmem:v10+s18+$0x0] =	vst.idx.add.f32.msk vm5, v11  }
0x8f: {  	v11 =	vld [tilespmem:$0x80E0];
	v10, _, _ =	vpop (xrf2)  }
0x90: {  	v10 =	vmul.f32 $6.250000000e-02, v10;
	_ =	sdelay $0x1  }
0x91: {  	v10 =	vbroadcast v10, $0xF;
	_ =	sdelay $0x1  }
0x92: {  	v10 =	vsub.f32 v11, v10;
	_ =	sdelay $0x1  }
0x93: {  	v10 =	vmul.f32 v10, v10;
	_ =	sdelay $0x1  }
0x94: {  	(xrf2) =	vadd.scan.msk.f32 $0xffff, v10  }
0x95: {  	p0 =	seq.s32 s23, $0xF  }
0x96: {  	s25 =	sadd.s32 @!p0 $0x2, s25  }
0x97: {  	s26 =	smul.u32 @!p0 $0x401, s25;
	_ =	sdelay $0x1  }
0x98: {  	s29 =	simm.s32 @!p0 $0x0;
	s25 =	sshll.u32 @!p0 s25, $0x1;
	s28 =	sadd.s32 @!p0 s4, s26  }
0x99: {  	[tilespmem:s29], [sflag:$0x1] =	stream.linear.gather @!p0 [hbm4b:s28+s29], $0x2001, $0x38;
	[tilespmem:$0x8120] =	vst v63  }
0x9a: {  	s25 =	sand.u32 @!p0 $0x1FFFFFFC, s25;
	s26 =	sadd.s32 @!p0 s5, s26;
	s28 =	simm.s32 @!p0 $0x2030  }
0x9b: {  	[tilespmem:s28], [sflag:$0x1] =	stream.linear.gather @!p0 [hbm4b:s26+s29], $0x2001, $0x38;
	[tilespmem:$0x8120] =	vst v63  }
0x9c: {  	s25 =	sadd.s32 @!p0 s6, s25;
	s26 =	simm.s32 @!p0 $0x4060  }
0x9d: {  	[tilespmem:s26], [sflag:$0x1] =	stream.linear.gather @!p0 [hbm4b:s25+s29], $0x10, $0x38;
	v11, _, _ =	vpop (xrf2);
	[tilespmem:$0x8120] =	vst v63  }
0x9e: {  	_ =	swait.ge [sflag:s19], $0x2001  }
0x9f: {  	[sflag:s19] =	ssyncset.done $0x0  }
0xa0: {  	[sflag:s19] =	ssyncadd.s32 $0xFFFFDFFF  }
0xa1: {  	_ =	swait.ge [sflag:s19], $0x2001  }
0xa2: {  	[sflag:s19] =	ssyncset.done $0x0  }
0xa3: {  	[sflag:s19] =	ssyncadd.s32 $0xFFFFDFFF  }
0xa4: {  	_ =	swait.ge [sflag:s19], $0x10  }
0xa5: {  	[sflag:s19] =	ssyncset.done $0x0  }
0xa6: {  	[sflag:s19] =	ssyncadd.s32 $0xFFFFFFF0  }
0xa7: {  	v12 =	vld [tilespmem:$0x80D0];
	_ =	sdelay $0x4  }
0xa8: {  	(xrf2) =	vadd.scan.msk.f32 $0xffff, v12;
	_ =	sdelay $0x9  }
0xa9: {  	v13, _, _ =	vpop (xrf2)  }
0xaa: {  	v10 =	vbroadcast v13, $0xF;
	_ =	sdelay $0x1  }
0xab: {  	(erf) = vrcp.f32 v10;
	_ =	sdelay $0x1  }
0xac: {  	v10 =	vimm.f32 $0.0e+00  }
0xad: {  	v11 =	vbroadcast v11, $0xF;
	[tilespmem:$0x80E0] =	vst v10  }
0xae: {  	v14 =	vmov s24;
	vm1 =	vmmov vm0;
	p0 =	slt.u32 s23, $0x8;
	v16 =	vld.idx.msk [tilespmem:v1+s14+$0x0], $0xffff  }
0xaf: {  	vm2 =	veq.s32 v14, v0;
	vm1 =	vmneg @p0 vm1;
	v11 =	vmul.f32 v11, v9;
	v14 =	vld.idx.msk [tilespmem:v7+s14+$0x0], $0xffff  }
0xb0: {  	s31 =	sadd.s32 $0xFFFFFFF0, s24;
	vm3 =	vmand vm1, vm2;
	vm2 =	vmmov vm0;
	v17 =	vld.idx.msk [tilespmem:v6+s14+$0x0], $0xffff  }
0xb1: {  	p0 =	sgt.u32 s23, $0x7;
	v11 =	vmul.f32 $3.333333510e-02, v11;
	v18 =	vsub.f32 v13, v12;
	v12 =	vmov s31;
	v13 =	vld.idx.msk [tilespmem:v8+s14+$0x0], $0xffff  }
0xb2: {  	vm2 =	vmneg @p0 vm2;
	vm4 =	veq.s32 v12, v0  }
0xb3: {  	v15 =	vnsel vm3, $0x0, v11;
	vm3 =	vmand vm2, vm4;
	v9 =	vpop (erf)  }
0xb4: {  	v11 =	vnsel vm3, $0x0, v11;
	v19 =	vld.idx.msk [tilespmem:v8+s15+$0x0], $0xffff;
	v20 =	vmul.f32 v16, v16;
	v9 =	vmul.f32 $1.600000000e+01, v9  }
0xb5: {  	v3 =	vadd.f32 v11, v3;
	v11 =	vld.idx.msk [tilespmem:v7+s15+$0x0], $0xffff;
	v21 =	vmul.f32 v17, v17;
	v22 =	vmul.f32 v14, v14  }
0xb6: {  	v8 =	vld.idx.msk [tilespmem:v4+s14+$0x0], $0xffff;
	v23 =	vmul.f32 v13, v13;
	v12 =	vmul.f32 v18, v9  }
0xb7: {  	v21 =	vadd.f32 v21, v20;
	v20 =	vadd.f32 v20, v18  }
0xb8: {  	v5 =	vadd.f32 v15, v5;
	v23 =	vadd.f32 v23, v22;
	v15 =	vtrunc.f32 v12  }
0xb9: {  	vm5 =	vgt.f32 v12, $0.0e+00;
	v12 =	vmul.f32 v19, v13;
	v19 =	vmul.f32 v20, v9  }
0xba: {  	v20 =	vadd.f32 v21, v18;
	v13 =	vmul.f32 v11, v14;
	v62 =	vcvt.f32.s32 v15  }
0xbb: {  	v6 =	vld.idx.msk [tilespmem:v6+s15+$0x0], $0xffff;
	v15 =	vadd.f32 v22, v21;
	v22 =	vmul.f32 v8, v8;
	v21 =	vadd.f32 v23, v21  }
0xbc: {  	v14 =	vtrunc.f32 v19;
	v20 =	vmul.f32 v20, v9  }
0xbd: {  	v11 =	vld.idx.msk [tilespmem:v1+s15+$0x0], $0xffff;
	vm3 =	vgt.f32 v19, $0.0e+00;
	v23 =	vadd.f32 v15, v18;
	v19 =	vadd.f32 v21, v18  }
0xbe: {  	v15 =	vcvt.f32.s32 v14;
	v63 =	vtrunc.f32 v20  }
0xbf: {  	v21 =	vadd.f32 v21, v22;
	v23 =	vmul.f32 v23, v9;
	v19 =	vmul.f32 v19, v9  }
0xc0: {  	v14 =	vmul.f32 v6, v17;
	vm4 =	vgt.f32 v20, $0.0e+00;
	v17 =	vcvt.f32.s32 v63  }
0xc1: {  	v6 =	vadd.f32 v21, v18;
	v21 =	vld.idx.msk [tilespmem:v4+s15+$0x0], $0xffff;
	v20 =	vtrunc.f32 v23;
	v4 =	vtrunc.f32 v19  }
0xc2: {  	v18 =	vmul.f32 v11, v16;
	vm7 =	vgt.f32 v23, $0.0e+00;
	v20 =	vcvt.f32.s32 v20  }
0xc3: {  	v7 =	vadd.s32 $0x5, v1;
	vm6 =	vgt.f32 v19, $0.0e+00;
	v19 =	vadd.f32 v12, v13  }
0xc4: {  	s25 =	simm.s32 $0x65;
	v16 =	vadd.s32 $0x1, v7;
	v11 =	vmul.f32 v6, v9;
	[tilespmem:v62+s18+$0x0] =	vst.idx.add.f32.msk vm5, v18;
	v22 =	vcvt.f32.s32 v4;
	v4 =	vmovc v7  }
.LBB2_5:
0xc5: {  	p0 =	sne.s32 s25, $0x1;
	s25 =	sadd.s32 $0xFFFFFFFF, s25;
	v18 =	vadd.f32 v14, v18  }
0xc6: {  	v23 =	vtrunc.f32 v11;
	[tilespmem:v15+s18+$0x0] =	vst.idx.add.f32.msk vm3, v14  }
0xc7: {  	v14 =	vadd.s32 $0x2, v7;
	v8 =	vmul.f32 v21, v8;
	[tilespmem:v17+s18+$0x0] =	vst.idx.add.f32.msk vm4, v13;
	v13 =	vadd.f32 v19, v18  }
0xc8: {  	[tilespmem:v20+s18+$0x0] =	vst.idx.add.f32.msk vm7, v12  }
0xc9: {  	v12 =	vadd.s32 $0x3, v7;
	v13 =	vadd.f32 v13, v8  }
0xca: {  	[tilespmem:v22+s18+$0x0] =	vst.idx.add.f32.msk vm6, v8  }
0xcb: {  	v18 =	vld.idx.msk [tilespmem:v7+s14+$0x0], $0xffff;
	v10 =	vadd.f32 v13, v10  }
0xcc: {  	v19 =	vadd.s32 $0x4, v7;
	v13 =	vld.idx.msk [tilespmem:v14+s14+$0x0], $0xffff  }
0xcd: {  	v17 =	vld.idx.msk [tilespmem:v16+s14+$0x0], $0xffff  }
0xce: {  	v15 =	vld.idx.msk [tilespmem:v12+s14+$0x0], $0xffff;
	_ =	sdelay $0x1  }
0xcf: {  	v12 =	vld.idx.msk [tilespmem:v12+s15+$0x0], $0xffff  }
0xd0: {  	v8 =	vld.idx.msk [tilespmem:v19+s14+$0x0], $0xffff  }
0xd1: {  	v14 =	vld.idx.msk [tilespmem:v14+s15+$0x0], $0xffff  }
0xd2: {  	v20 =	vmul.f32 v18, v18;
	v21 =	vmul.f32 v17, v17;
	v16 =	vld.idx.msk [tilespmem:v16+s15+$0x0], $0xffff  }
0xd3: {  	v7 =	vadd.s32 $0x5, v7;
	v22 =	vmul.f32 v13, v13;
	v24 =	vmul.f32 v15, v15  }
0xd4: {  	vm5 =	vgt.f32 v11, $0.0e+00;
	v11 =	vadd.f32 v20, v6;
	v21 =	vadd.f32 v21, v20  }
0xd5: {  	v23 =	vcvt.f32.s32 v23;
	v20 =	vadd.f32 v24, v22;
	v12 =	vmul.f32 v12, v15  }
0xd6: {  	v11 =	vmul.f32 v11, v9;
	v15 =	vadd.f32 v22, v21;
	v22 =	vadd.f32 v21, v6;
	v24 =	vld.idx.msk [tilespmem:v4+s15+$0x0], $0xffff  }
0xd7: {  	v25 =	vmul.f32 v8, v8;
	v20 =	vadd.f32 v20, v21;
	v13 =	vmul.f32 v14, v13;
	v4 =	vmovc v7  }
0xd8: {  	v14 =	vtrunc.f32 v11;
	v21 =	vmul.f32 v22, v9;
	v22 =	vadd.f32 v15, v6  }
0xd9: {  	vm3 =	vgt.f32 v11, $0.0e+00;
	v15 =	vcvt.f32.s32 v14;
	v11 =	vadd.f32 v20, v6  }
0xda: {  	v20 =	vadd.f32 v20, v25;
	v26 =	vtrunc.f32 v21;
	v22 =	vmul.f32 v22, v9  }
.Ltmp1:
0xdb: {  	v14 =	vmul.f32 v16, v17;
	vm4 =	vgt.f32 v21, $0.0e+00;
	v17 =	vcvt.f32.s32 v26;
	(pc) =	sbr.rel @p0 .LBB2_5-.Ltmp1, $4  }
0xdc: {  	v11 =	vmul.f32 v11, v9;
	v6 =	vadd.f32 v20, v6;
	v16 =	vtrunc.f32 v22;
	v21 =	vld.idx.msk [tilespmem:v19+s15+$0x0], $0xffff  }
0xdd: {  	v18 =	vmul.f32 v24, v18;
	vm7 =	vgt.f32 v22, $0.0e+00;
	v20 =	vcvt.f32.s32 v16  }
0xde: {  	v22 =	vtrunc.f32 v11;
	vm6 =	vgt.f32 v11, $0.0e+00;
	v19 =	vadd.f32 v12, v13  }
0xdf: {  	v16 =	vadd.s32 $0x1, v7;
	v11 =	vmul.f32 v6, v9;
	v22 =	vcvt.f32.s32 v22;
	[tilespmem:v23+s18+$0x0] =	vst.idx.add.f32.msk vm5, v18  }
0xe0: {  	_ =	sdelay $0x4  }
0xe1: {  	[tilespmem:v15+s18+$0x0] =	vst.idx.add.f32.msk vm3, v14  }
0xe2: {  	v8 =	vmul.f32 v21, v8;
	[tilespmem:v17+s18+$0x0] =	vst.idx.add.f32.msk vm4, v13  }
0xe3: {  	[tilespmem:v20+s18+$0x0] =	vst.idx.add.f32.msk vm7, v12  }
0xe4: {  	v38 =	vadd.s32 $0x2, v7;
	[tilespmem:v22+s18+$0x0] =	vst.idx.add.f32.msk vm6, v8  }
0xe5: {  	v39 =	vadd.s32 $0x3, v7;
	v13 =	vld.idx.msk [tilespmem:v7+s14+$0x0], $0xffff  }
0xe6: {  	v20 =	vld.idx.msk [tilespmem:v16+s14+$0x0], $0xffff  }
0xe7: {  	v41 =	vld.idx.msk [tilespmem:v16+s15+$0x0], $0xffff  }
0xe8: {  	v4 =	vld.idx.msk [tilespmem:v4+s15+$0x0], $0xffff  }
0xe9: {  	v17 =	vld.idx.msk [tilespmem:v38+s14+$0x0], $0xffff  }
0xea: {  	v7 =	vadd.s32 $0x4, v7;
	v40 =	vld.idx.msk [tilespmem:v39+s14+$0x0], $0xffff  }
0xeb: {  	v12 =	vld.idx.msk [tilespmem:v39+s15+$0x0], $0xffff  }
0xec: {  	v42 =	vadd.f32 v14, v18;
	v15 =	vld.idx.msk [tilespmem:v38+s15+$0x0], $0xffff;
	_ =	sdelay $0x1  }
0xed: {  	v14 =	vadd.f32 v19, v42  }
0xee: {  	v43 =	vld.idx.msk [tilespmem:v7+s14+$0x0], $0xffff;
	v44 =	vmul.f32 v13, v13  }
0xef: {  	v8 =	vadd.f32 v14, v8;
	v7 =	vld.idx.msk [tilespmem:v7+s15+$0x0], $0xffff;
	v46 =	vmul.f32 v41, v20;
	v4 =	vmul.f32 v4, v13  }
0xf0: {  	v12 =	vmul.f32 v12, v40;
	v45 =	vmul.f32 v15, v17  }
0xf1: {  	v8 =	vadd.f32 v8, v10;
	v47 =	vmul.f32 v20, v20;
	v48 =	vmul.f32 v17, v17  }
0xf2: {  	v49 =	vmul.f32 v40, v40;
	v51 =	vadd.f32 v46, v4;
	v50 =	vadd.f32 v12, v45  }
0xf3: {  	v10 =	vadd.f32 v47, v44;
	v19 =	vadd.f32 v44, v6  }
0xf4: {  	v16 =	vadd.f32 v49, v48;
	v7 =	vmul.f32 v7, v43;
	v17 =	vadd.f32 v50, v51  }
0xf5: {  	v13 =	vadd.f32 v48, v10;
	v52 =	vmul.f32 v19, v9;
	v53 =	vadd.f32 v10, v6  }
0xf6: {  	v54 =	vtrunc.f32 v11;
	v10 =	vadd.f32 v16, v10;
	v55 =	vadd.f32 v17, v7  }
0xf7: {  	v56 =	vcvt.f32.s32 v54;
	v57 =	vtrunc.f32 v52;
	v13 =	vadd.f32 v13, v6  }
0xf8: {  	v19 =	vmul.f32 v53, v9;
	v6 =	vadd.f32 v10, v6;
	v8 =	vadd.f32 v55, v8  }
0xf9: {  	vm3 =	vgt.f32 v11, $0.0e+00;
	v58 =	vcvt.f32.s32 v57;
	v59 =	vmul.f32 v13, v9  }
0xfa: {  	vm12 =	vgt.f32 v52, $0.0e+00;
	v60 =	vtrunc.f32 v19;
	v6 =	vmul.f32 v6, v9;
	(xrf2) =	vadd.scan.msk.f32 $0xffff, v8  }
0xfb: {  	vm5 =	vgt.f32 v19, $0.0e+00;
	v61 =	vcvt.f32.s32 v60;
	v62 =	vtrunc.f32 v59  }
0xfc: {  	vm13 =	vgt.f32 v59, $0.0e+00;
	v13 =	vcvt.f32.s32 v62;
	v63 =	vtrunc.f32 v6  }
0xfd: {  	vm14 =	vgt.f32 v6, $0.0e+00;
	v6 =	vcvt.f32.s32 v63;
	_ =	sdelay $0x1  }
0xfe: {  	[tilespmem:v56+s18+$0x0] =	vst.idx.add.f32.msk vm3, v4  }
0xff: {  	[tilespmem:v58+s18+$0x0] =	vst.idx.add.f32.msk vm12, v46  }
0x100: {  	[tilespmem:v61+s18+$0x0] =	vst.idx.add.f32.msk vm5, v45  }
0x101: {  	[tilespmem:v13+s18+$0x0] =	vst.idx.add.f32.msk vm13, v12  }
0x102: {  	[tilespmem:v6+s18+$0x0] =	vst.idx.add.f32.msk vm14, v7  }
0x103: {  	v6 =	vld [tilespmem:$0x80E0];
	v4, _, _ =	vpop (xrf2)  }
0x104: {  	v4 =	vmul.f32 $6.250000000e-02, v4;
	_ =	sdelay $0x1  }
0x105: {  	v4 =	vbroadcast v4, $0xF;
	_ =	sdelay $0x1  }
0x106: {  	v4 =	vsub.f32 v6, v4;
	_ =	sdelay $0x1  }
0x107: {  	v4 =	vmul.f32 v4, v4;
	_ =	sdelay $0x1  }
0x108: {  	(xrf2) =	vadd.scan.msk.f32 $0xffff, v4;
	_ =	sdelay $0x9  }
0x109: {  	v4, _, _ =	vpop (xrf2)  }
0x10a: {  	v4 =	vbroadcast v4, $0xF  }
0x10b: {  	s23 =	sadd.s32 $0x1, s23  }
0x10c: {  	s25 =	sor.u32 $0x1, s24;
	s31 =	sadd.s32 $0xFFFFFFF1, s24;
	p0 =	sne.s32 s23, $0x10;
	v4 =	vmul.f32 v4, v9  }
.Ltmp2:
0x10d: {  	v7 =	vmov s31;
	v6 =	vmov s25;
	(pc) =	sbr.rel @p0 .LBB2_2-.Ltmp2, $4  }
0x10e: {  	vm15 =	veq.s32 v7, v0;
	vm3 =	veq.s32 v6, v0;
	v4 =	vmul.f32 $3.333333510e-02, v4  }
0x10f: {  	vm2 =	vmand vm2, vm15;
	vm1 =	vmand vm1, vm3  }
0x110: {  	v6 =	vnsel vm1, $0x0, v4;
	v4 =	vnsel vm2, $0x0, v4  }
0x111: {  	v5 =	vadd.f32 v6, v5;
	v3 =	vadd.f32 v4, v3  }
0x112: {  	s22 =	sadd.s32 $0x1, s22  }
0x113: {  	[tilespmem:$0x8100] =	vst v5;
	p0 =	sne.s32 s22, s11  }
.Ltmp3:
0x114: {  	[tilespmem:$0x8110] =	vst v3;
	(pc) =	sbr.rel @p0 .LBB2_1-.Ltmp3, $4  }
0x115: {  	[hbm4b:s10+s2] =	stream.linear.scatter [tilespmem:s20], [sflag:$0x3], $0x20, $0x38;
	[tilespmem:$0x8120] =	vst v63  }
0x116: {  	_ =	swait.ge [sflag:s21], $0x20  }
0x117: {  	[sflag:s21] =	ssyncset.done $0x0  }
0x118: {  	[sflag:s21] =	ssyncadd.s32 $0xFFFFFFE0  }
0x119: {  	_ =	sfence.sel $0x180000  }
0x11a: {  	[bflag:$0x0] =	sbarrier.arrive $0xFFFF  }
0x11b: {  	p0 =	sne.s32 s1, $0x0;
	_ =	strace $0x90000047  }
0x11c: {  	s0 =	sadd.s32 @!p0 $0x100000, s0;
	[bflag:$0x2] =	sbarrier.arrive $0xFFFF  }
0x11d: {  	[sflag:s0] =	ssyncadd.tile.s32 @!p0 $0x1;
	_ =	shalt  }
.Lfunc_end2:
_tile_overlayer_lowered:
.L_overlay_start_2:
0x11e: {  	(tag) =	ssettag $0x2  }
0x11f: {  	s0 =	rddreg [dreg:$0x0];
	s2 =	stileid.u32  }
0x120: {  	s1 =	rddreg [dreg:$0x1];
	p0 =	sne.s32 s2, $0x0  }
0x121: {  	s3 =	rddreg [dreg:$0x2];
	[bflag:$0x3] =	sbarrier.arrive $0xFFFF;
	s2 =	simm.s32 @!p0 $0x1C03  }
0x122: {  	[timem:s3], [sflag:s2] =	dma.local @!p0 [hbm:s0], s1  }
0x123: {  	s0 =	simm.s32 @!p0 $0x3  }
0x124: {  	_ =	swait.ge @!p0 [sflag:s0], s1  }
0x125: {  	s1 =	ssub.s32 @!p0 $0x0, s1;
	[sflag:s0] =	ssyncset.done @!p0 $0x0  }
0x126: {  	[sflag:s0] =	ssyncadd.s32 @!p0 s1  }
0x127: {  	[bflag:$0x3] =	sbarrier.arrive $0xFFFF  }
0x128: {  	_ =	shalt  }

</sc_bundles>
